<compile_context>
chip_gen: v7x
topology: tpu7x:2x2x1
jax: 0.10.2.dev20260603
libtpu: 0.0.44.dev20260713+nightly
codegen_flags: <defaults>
</compile_context>

<pallas_src>
import functools

import jax
import jax.numpy as jnp
from jax import lax
from jax.experimental import pallas as pl
from jax.experimental.pallas import tpu as pltpu
from jax.experimental.pallas import tpu_sc as plsc

_C = 26
_B = 16384
_V = 100000
_E = 64
_CROSS = 128
_K = _C * _E
_NSC = 2
_RPS = _K // _NSC
_BQ = _B // 8

_RPR = 8
_NR = _RPS // _RPR
_BH = _B // 2
_W0 = 50048
_WA = 25088
_WB = _W0 - _WA
_O1 = 49920
_VT = _O1 + _W0

_sc_mesh = plsc.VectorSubcoreMesh(core_axis_name="c", subcore_axis_name="s")


@functools.partial(
    pl.kernel,
    mesh=_sc_mesh,
    out_type=jax.ShapeDtypeStruct((_K, 8, _BQ), jnp.float32),
    scratch_types=[
        pltpu.VMEM_SHARED((_RPR, _WA), jnp.float32),
        pltpu.VMEM_SHARED((_RPR, _WB), jnp.float32),
        pltpu.VMEM_SHARED((_RPR, _WA), jnp.float32),
        pltpu.VMEM_SHARED((_RPR, _WB), jnp.float32),
        pltpu.VMEM((_W0 + 32,), jnp.float32),
        pltpu.VMEM((_NR, 32), jnp.float32),
        pltpu.VMEM((_BH,), jnp.int32),
        pltpu.VMEM((4, _BQ), jnp.float32),
        pltpu.SemaphoreType.DMA,
        pltpu.SemaphoreType.DMA,
        pltpu.SemaphoreType.DMA,
        pltpu.SemaphoreType.DMA,
    ],
    compiler_params=pltpu.CompilerParams(needs_layout_passes=False),
)
def _sc_gather(ctx_hbm, tt_hbm, tail_hbm, x_hbm,
               buf0a, buf0b, buf1a, buf1b, row_v, tailbuf_v, idx_v, out_v,
               sem, osem, psem, psem2):
    core = lax.axis_index("c")
    sid = lax.axis_index("s")
    g_sc = core * _RPS
    e8 = sid % _RPR
    h = sid // _RPR

    @pl.when(sid == 0)
    def _prime():
        pltpu.sync_copy(tt_hbm.at[pl.ds(g_sc, _RPR), pl.ds(0, _WA)], buf0a)
        pltpu.sync_copy(tt_hbm.at[pl.ds(g_sc, _RPR), pl.ds(_WA, _WB)], buf0b)
    pltpu.sync_copy(tail_hbm.at[e8, pl.ds(core * _NR, _NR), :], tailbuf_v)
    plsc.subcore_barrier()

    _UN = 16

    def scan(bufa, bufb, vlo, first):
        a = pltpu.make_async_copy(
            bufa.at[e8, :], row_v.at[pl.ds(0, _WA)], psem)
        bb = pltpu.make_async_copy(
            bufb.at[e8, :], row_v.at[pl.ds(_WA, _WB)], psem2)
        a.start()
        bb.start()
        a.wait()
        bb.wait()
        lane = lax.iota(jnp.int32, 16)
        for q in range(4):
            @plsc.parallel_loop(0, _BQ // 16, unroll=_UN)
            def gather_body(i, _q=q):
                off = i * 16
                iv = idx_v[pl.ds(_q * _BQ + off, 16)]
                if first:
                    rel = jnp.minimum(iv, _W0 - 1)
                    vals = plsc.load_gather(row_v, [rel])
                    out_v[_q, pl.ds(off, 16)] = vals
                else:
                    rel = jnp.maximum(iv - vlo, 0)
                    vals = plsc.load_gather(row_v, [rel])
                    qv = jnp.broadcast_to(jnp.int32(_q), (16,))
                    pos = off + lane
                    plsc.store_scatter(out_v, [qv, pos], vals, mask=iv >= vlo)

    def round_body(r, carry):
        g0 = g_sc + r * _RPR
        field = g0 // _E

        @pl.when(sid == 0)
        def _fire1():
            pltpu.make_async_copy(
                tt_hbm.at[pl.ds(g0, _RPR), pl.ds(_O1, _WA)], buf1a, sem).start()
            pltpu.make_async_copy(
                tt_hbm.at[pl.ds(g0, _RPR), pl.ds(_O1 + _WA, _WB)], buf1b,
                sem).start()

        @pl.when(r % (_E // _RPR) == 0)
        def _idx():
            pltpu.sync_copy(ctx_hbm.at[pl.ds(field * _B + h * _BH, _BH)], idx_v)
        row_v[pl.ds(_W0, 16)] = tailbuf_v[r, pl.ds(0, 16)]
        row_v[pl.ds(_W0 + 16, 16)] = tailbuf_v[r, pl.ds(16, 16)]
        @pl.when(r > 0)
        def _owait():
            pltpu.make_async_copy(
                out_v, x_hbm.at[g0 + e8, pl.ds(h * 4, 4), :], osem).wait()
        scan(buf0a, buf0b, 0, True)

        @pl.when(sid == 0)
        def _wait1():
            pltpu.make_async_copy(
                tt_hbm.at[pl.ds(g0, _RPR), pl.ds(_O1, _WA)], buf1a, sem).wait()
            pltpu.make_async_copy(
                tt_hbm.at[pl.ds(g0, _RPR), pl.ds(_O1 + _WA, _WB)], buf1b,
                sem).wait()
        plsc.subcore_barrier()

        @pl.when((sid == 0) & (r + 1 < _NR))
        def _fire0():
            pltpu.make_async_copy(
                tt_hbm.at[pl.ds(g0 + _RPR, _RPR), pl.ds(0, _WA)], buf0a,
                sem).start()
            pltpu.make_async_copy(
                tt_hbm.at[pl.ds(g0 + _RPR, _RPR), pl.ds(_WA, _WB)], buf0b,
                sem).start()
        scan(buf1a, buf1b, _O1, False)
        pltpu.make_async_copy(
            out_v, x_hbm.at[g0 + e8, pl.ds(h * 4, 4), :], osem).start()

        @pl.when((sid == 0) & (r + 1 < _NR))
        def _wait0():
            pltpu.make_async_copy(
                tt_hbm.at[pl.ds(g0 + _RPR, _RPR), pl.ds(0, _WA)], buf0a,
                sem).wait()
            pltpu.make_async_copy(
                tt_hbm.at[pl.ds(g0 + _RPR, _RPR), pl.ds(_WA, _WB)], buf0b,
                sem).wait()
        plsc.subcore_barrier()
        return carry

    lax.fori_loop(0, _NR, round_body, 0)
    pltpu.make_async_copy(
        out_v, x_hbm.at[g_sc + _RPS - _RPR + e8, pl.ds(h * 4, 4), :],
        osem).wait()


_KB = 128
_NKB = _K // _KB


def _mm_body(x_ref, w_ref, b_ref, o_ref):
    @pl.when(pl.program_id(0) == 0)
    def _init():
        o_ref[...] = jnp.broadcast_to(b_ref[0][None, None, :], (8, _BQ, _CROSS))

    for q in range(8):
        o_ref[q] += lax.dot_general(
            x_ref[:, q, :], w_ref[...],
            dimension_numbers=(((0,), (1,)), ((), ())),
            preferred_element_type=jnp.float32,
        )


@jax.jit
def kernel(ctx_in, tables, W, b):
    tt = jnp.transpose(tables, (0, 2, 1)).reshape(_K, _V)
    ctx_flat = ctx_in.astype(jnp.int32).reshape(_C * _B)
    tail = lax.slice(tt, (0, _VT), (_K, _V))
    tail3 = tail.reshape(_NSC, _NR, _RPR, 32).transpose(2, 0, 1, 3)
    tail3 = tail3.reshape(_RPR, _NSC * _NR, 32)

    x = _sc_gather(ctx_flat, tt, tail3)

    out4 = pl.pallas_call(
        _mm_body,
        grid=(_NKB,),
        in_specs=[
            pl.BlockSpec((_KB, 8, _BQ), lambda k: (k, 0, 0)),
            pl.BlockSpec((_CROSS, _KB), lambda k: (0, k)),
            pl.BlockSpec((1, _CROSS), lambda k: (0, 0)),
        ],
        out_specs=pl.BlockSpec((8, _BQ, _CROSS), lambda k: (0, 0, 0)),
        out_shape=jax.ShapeDtypeStruct((8, _BQ, _CROSS), jnp.float32),
    )(x, W, b.reshape(1, _CROSS))
    return out4.reshape(_B, _CROSS)

# --- scband reference (transcript-rebuilt; emitter-appended) ---
"""Pipeline reference for scband-context-embedding-55173149884546 (READ-ONLY COPY).

The authoritative reference and input builder live on the scoring server;
editing this copy changes nothing except your own understanding.
"""

import jax, jax.numpy as jnp
import numpy as np

C = 26
B = 16384
V = 100000
E = 64
CROSS = 128


def setup_inputs(seed: int = 0) -> dict:
    key = jax.random.key(seed)
    k1, k2, k3 = jax.random.split(key, 3)
    # forward arg: ctx_in iterated over leading dim -> 26 index vectors of shape [B]
    ctx_in = jax.random.randint(k1, (C, B), 0, V)
    # learned params: 26 embedding tables [V, E] stacked, dense layer weight/bias
    tables = jax.random.normal(k2, (C, V, E), dtype=jnp.float32) * 0.02
    W = jax.random.normal(k3, (CROSS, C * E), dtype=jnp.float32) * 0.02
    b = jnp.zeros((CROSS,), dtype=jnp.float32)
    return {"ctx_in": ctx_in, "tables": tables, "W": W, "b": b}


def reference(ctx_in, tables, W, b):
    # per-field embedding lookup: ctx_embedding[i](ctx_in[i]) -> [B, E]
    emb = jax.vmap(lambda t, idx: jnp.take(t, idx, axis=0))(tables, ctx_in)  # [C, B, E]
    # torch.cat(..., dim=2).squeeze(1) -> concat fields along feature dim -> [B, C*E]
    x = jnp.transpose(emb, (1, 0, 2)).reshape(B, C * E)
    # ctx_dense: Linear(C*E -> cross_size)
    out = x @ W.T + b
    return out

if __name__ == "__main__":
    import jax
    _d = setup_inputs()
    print(jax.jit(kernel)(*tuple(_d.values())))

</pallas_src>

<mosaic_0001>
#map = affine_map<(d0, d1) -> (0)>
#map1 = affine_map<(d0, d1) -> (0, 0)>
#map2 = affine_map<(d0, d1) -> (0, 0, 0)>
module attributes {stable_mosaic.version = 14 : i64} {
  func.func @_sc_gather(%arg0: i32, %arg1: i32, %arg2: memref<425984xi32, #tpu.memory_space<hbm>>, %arg3: memref<1664x100000xf32, #tpu.memory_space<hbm>>, %arg4: memref<8x208x32xf32, #tpu.memory_space<hbm>>, %arg5: memref<1664x8x2048xf32, #tpu.memory_space<hbm>>, %arg6: memref<8x25088xf32, #tpu.memory_space<vmem_shared>>, %arg7: memref<8x24960xf32, #tpu.memory_space<vmem_shared>>, %arg8: memref<8x25088xf32, #tpu.memory_space<vmem_shared>>, %arg9: memref<8x24960xf32, #tpu.memory_space<vmem_shared>>, %arg10: memref<50080xf32, #tpu.memory_space<vmem>>, %arg11: memref<104x32xf32, #tpu.memory_space<vmem>>, %arg12: memref<8192xi32, #tpu.memory_space<vmem>>, %arg13: memref<4x2048xf32, #tpu.memory_space<vmem>>, %arg14: memref<!tpu.dma_semaphore, #tpu.memory_space<semaphore_mem>>, %arg15: memref<!tpu.dma_semaphore, #tpu.memory_space<semaphore_mem>>, %arg16: memref<!tpu.dma_semaphore, #tpu.memory_space<semaphore_mem>>, %arg17: memref<!tpu.dma_semaphore, #tpu.memory_space<semaphore_mem>>) attributes {dimension_semantics = [#tpu.dimension_semantics<core_parallel>, #tpu.dimension_semantics<subcore_parallel>], iteration_bounds = array<i64: 2, 16>, scalar_prefetch = 0 : i64, scratch_operands = 12 : i64, tpu.core_type = #tpu.core_type<sc_vector_subcore>, window_params = [{transform_indices = #map}, {transform_indices = #map1}, {transform_indices = #map2}, {transform_indices = #map2}]} {
    %mul3A = arith.constant 832 : i32
    %mul3A_0 = arith.muli %arg0, %mul3A : i32
    %jit3A = arith.constant 8 : i32
    %eq3A = arith.constant 0 : i32
    %eq3A_1 = arith.cmpi eq, %jit3A, %eq3A : i32
    %jit3A_2 = arith.constant 1 : i32
    %select_n3A = arith.select %eq3A_1, %jit3A_2, %jit3A : i32
    %rem3A = arith.remsi %arg1, %select_n3A : i32
    %ne3A = arith.constant 0 : i32
    %ne3A_3 = arith.cmpi ne, %rem3A, %ne3A : i32
    %lt3A = arith.constant 0 : i32
    %lt3A_4 = arith.cmpi slt, %rem3A, %lt3A : i32
    %lt3A_5 = arith.constant 0 : i32
    %lt3A_6 = arith.cmpi slt, %select_n3A, %lt3A_5 : i32
    %ne3A_7 = arith.xori %lt3A_4, %lt3A_6 : i1
    %and3A = arith.andi %ne3A_7, %ne3A_3 : i1
    %add3A = arith.addi %rem3A, %select_n3A : i32
    %select_n3A_8 = arith.select %and3A, %add3A, %rem3A : i32
    %jit3A_9 = arith.constant 8 : i32
    %div3A = arith.divsi %arg1, %jit3A_9 : i32
    %sign3A = arith.constant 0 : i32
    %sign3A_10 = arith.cmpi sgt, %arg1, %sign3A : i32
    %sign3A_11 = arith.extui %sign3A_10 : i1 to i32
    %sign3A_12 = arith.constant 0 : i32
    %sign3A_13 = arith.cmpi slt, %arg1, %sign3A_12 : i32
    %sign3A_14 = arith.extui %sign3A_13 : i1 to i32
    %sign3A_15 = arith.subi %sign3A_11, %sign3A_14 : i32
    %sign3A_16 = arith.constant 0 : i32
    %sign3A_17 = arith.cmpi sgt, %jit3A_9, %sign3A_16 : i32
    %sign3A_18 = arith.extui %sign3A_17 : i1 to i32
    %sign3A_19 = arith.constant 0 : i32
    %sign3A_20 = arith.cmpi slt, %jit3A_9, %sign3A_19 : i32
    %sign3A_21 = arith.extui %sign3A_20 : i1 to i32
    %sign3A_22 = arith.subi %sign3A_18, %sign3A_21 : i32
    %ne3A_23 = arith.cmpi ne, %sign3A_15, %sign3A_22 : i32
    %rem3A_24 = arith.remsi %arg1, %jit3A_9 : i32
    %ne3A_25 = arith.constant 0 : i32
    %ne3A_26 = arith.cmpi ne, %rem3A_24, %ne3A_25 : i32
    %and3A_27 = arith.andi %ne3A_23, %ne3A_26 : i1
    %sub3A = arith.constant 1 : i32
    %sub3A_28 = arith.subi %div3A, %sub3A : i32
    %select_n3A_29 = arith.select %and3A_27, %sub3A_28, %div3A : i32
    %eq3A_30 = arith.constant 0 : i32
    %eq3A_31 = arith.cmpi eq, %arg1, %eq3A_30 : i32
    %convert_element_type3A = arith.extui %eq3A_31 : i1 to i32
    %cond3A = arith.constant 0 : i32
    %cond3A_32 = arith.cmpi ne, %convert_element_type3A, %cond3A : i32
    scf.if %cond3A_32 {
      "tpu.region"() ({
        %run_scoped3A = tpu.sem_alloc : memref<!tpu.dma_semaphore, #tpu.memory_space<semaphore_mem>>
        %dma_start3A = arith.constant 0 : i32
        %dma_start3A_52 = tpu.memref_slice %arg3[%mul3A_0, %dma_start3A] : memref<1664x100000xf32, #tpu.memory_space<hbm>> -> memref<8x25088xf32, #tpu.memory_space<hbm>>
        tpu.enqueue_dma source(%dma_start3A_52 : memref<8x25088xf32, #tpu.memory_space<hbm>>) target(%arg6 : memref<8x25088xf32, #tpu.memory_space<vmem_shared>>) target_semaphore(%run_scoped3A : memref<!tpu.dma_semaphore, #tpu.memory_space<semaphore_mem>>)
        %dma_wait3A_53 = arith.constant 0 : i32
        %dma_wait3A_54 = tpu.memref_slice %arg3[%mul3A_0, %dma_wait3A_53] : memref<1664x100000xf32, #tpu.memory_space<hbm>> -> memref<8x25088xf32, #tpu.memory_space<hbm>>
        tpu.wait_dma2 semaphore(%run_scoped3A : memref<!tpu.dma_semaphore, #tpu.memory_space<semaphore_mem>>) src(%dma_wait3A_54 : memref<8x25088xf32, #tpu.memory_space<hbm>>) dst(%arg6 : memref<8x25088xf32, #tpu.memory_space<vmem_shared>>)
        tpu.yield
      }) : () -> ()
      "tpu.region"() ({
        %run_scoped3A = tpu.sem_alloc : memref<!tpu.dma_semaphore, #tpu.memory_space<semaphore_mem>>
        %dma_start3A = arith.constant 25088 : i32
        %dma_start3A_52 = tpu.memref_slice %arg3[%mul3A_0, %dma_start3A] : memref<1664x100000xf32, #tpu.memory_space<hbm>> -> memref<8x24960xf32, #tpu.memory_space<hbm>>
        tpu.enqueue_dma source(%dma_start3A_52 : memref<8x24960xf32, #tpu.memory_space<hbm>>) target(%arg7 : memref<8x24960xf32, #tpu.memory_space<vmem_shared>>) target_semaphore(%run_scoped3A : memref<!tpu.dma_semaphore, #tpu.memory_space<semaphore_mem>>)
        %dma_wait3A_53 = arith.constant 25088 : i32
        %dma_wait3A_54 = tpu.memref_slice %arg3[%mul3A_0, %dma_wait3A_53] : memref<1664x100000xf32, #tpu.memory_space<hbm>> -> memref<8x24960xf32, #tpu.memory_space<hbm>>
        tpu.wait_dma2 semaphore(%run_scoped3A : memref<!tpu.dma_semaphore, #tpu.memory_space<semaphore_mem>>) src(%dma_wait3A_54 : memref<8x24960xf32, #tpu.memory_space<hbm>>) dst(%arg7 : memref<8x24960xf32, #tpu.memory_space<vmem_shared>>)
        tpu.yield
      }) : () -> ()
    } else {
    }
    %mul3A_33 = arith.constant 104 : i32
    %mul3A_34 = arith.muli %arg0, %mul3A_33 : i32
    "tpu.region"() ({
      %run_scoped3A = tpu.sem_alloc : memref<!tpu.dma_semaphore, #tpu.memory_space<semaphore_mem>>
      %dma_start3A = arith.constant 0 : i32
      %dma_start3A_52 = tpu.memref_slice %arg4[%select_n3A_8, %mul3A_34, %dma_start3A] : memref<8x208x32xf32, #tpu.memory_space<hbm>> -> memref<1x104x32xf32, #tpu.memory_space<hbm>>
      %dma_start3A_53 = tpu.memref_squeeze %dma_start3A_52 : memref<1x104x32xf32, #tpu.memory_space<hbm>> -> memref<104x32xf32, #tpu.memory_space<hbm>>
      %dma_start3A_54 = arith.constant 0 : i32
      %dma_start3A_55 = tpu.memref_slice %arg4[%select_n3A_8, %mul3A_34, %dma_start3A_54] : memref<8x208x32xf32, #tpu.memory_space<hbm>> -> memref<1x104x32xf32, #tpu.memory_space<hbm>>
      %dma_start3A_56 = tpu.memref_squeeze %dma_start3A_55 : memref<1x104x32xf32, #tpu.memory_space<hbm>> -> memref<104x32xf32, #tpu.memory_space<hbm>>
      tpu.enqueue_dma source(%dma_start3A_56 : memref<104x32xf32, #tpu.memory_space<hbm>>) target(%arg11 : memref<104x32xf32, #tpu.memory_space<vmem>>) target_semaphore(%run_scoped3A : memref<!tpu.dma_semaphore, #tpu.memory_space<semaphore_mem>>)
      %dma_wait3A_57 = arith.constant 0 : i32
      %dma_wait3A_58 = tpu.memref_slice %arg4[%select_n3A_8, %mul3A_34, %dma_wait3A_57] : memref<8x208x32xf32, #tpu.memory_space<hbm>> -> memref<1x104x32xf32, #tpu.memory_space<hbm>>
      %dma_wait3A_59 = tpu.memref_squeeze %dma_wait3A_58 : memref<1x104x32xf32, #tpu.memory_space<hbm>> -> memref<104x32xf32, #tpu.memory_space<hbm>>
      %dma_wait3A_60 = arith.constant 0 : i32
      %dma_wait3A_61 = tpu.memref_slice %arg4[%select_n3A_8, %mul3A_34, %dma_wait3A_60] : memref<8x208x32xf32, #tpu.memory_space<hbm>> -> memref<1x104x32xf32, #tpu.memory_space<hbm>>
      %dma_wait3A_62 = tpu.memref_squeeze %dma_wait3A_61 : memref<1x104x32xf32, #tpu.memory_space<hbm>> -> memref<104x32xf32, #tpu.memory_space<hbm>>
      tpu.wait_dma2 semaphore(%run_scoped3A : memref<!tpu.dma_semaphore, #tpu.memory_space<semaphore_mem>>) src(%dma_wait3A_62 : memref<104x32xf32, #tpu.memory_space<hbm>>) dst(%arg11 : memref<104x32xf32, #tpu.memory_space<vmem>>)
      tpu.yield
    }) : () -> ()
    %barrier3A = arith.constant 0 : index
    tpu.barrier barrier_id(%barrier3A)
    %scan3A = arith.constant 0 : i32
    %scan3A_35 = arith.constant 0 : i32
    %scan3A_36 = arith.constant 104 : i32
    %scan3A_37 = arith.addi %scan3A_35, %scan3A_36 : i32
    %scan3A_38 = arith.constant 1 : i32
    scf.for %scan3A_52 = %scan3A_35 to %scan3A_37 step %scan3A_38  : i32 {
      %mul3A_53 = arith.constant 8 : i32
      %mul3A_54 = arith.muli %scan3A_52, %mul3A_53 : i32
      %add3A_55 = arith.addi %mul3A_0, %mul3A_54 : i32
      %jit3A_56 = arith.constant 64 : i32
      %div3A_57 = arith.divsi %add3A_55, %jit3A_56 : i32
      %sign3A_58 = arith.constant 0 : i32
      %sign3A_59 = arith.cmpi sgt, %add3A_55, %sign3A_58 : i32
      %sign3A_60 = arith.extui %sign3A_59 : i1 to i32
      %sign3A_61 = arith.constant 0 : i32
      %sign3A_62 = arith.cmpi slt, %add3A_55, %sign3A_61 : i32
      %sign3A_63 = arith.extui %sign3A_62 : i1 to i32
      %sign3A_64 = arith.subi %sign3A_60, %sign3A_63 : i32
      %sign3A_65 = arith.constant 0 : i32
      %sign3A_66 = arith.cmpi sgt, %jit3A_56, %sign3A_65 : i32
      %sign3A_67 = arith.extui %sign3A_66 : i1 to i32
      %sign3A_68 = arith.constant 0 : i32
      %sign3A_69 = arith.cmpi slt, %jit3A_56, %sign3A_68 : i32
      %sign3A_70 = arith.extui %sign3A_69 : i1 to i32
      %sign3A_71 = arith.subi %sign3A_67, %sign3A_70 : i32
      %ne3A_72 = arith.cmpi ne, %sign3A_64, %sign3A_71 : i32
      %rem3A_73 = arith.remsi %add3A_55, %jit3A_56 : i32
      %ne3A_74 = arith.constant 0 : i32
      %ne3A_75 = arith.cmpi ne, %rem3A_73, %ne3A_74 : i32
      %and3A_76 = arith.andi %ne3A_72, %ne3A_75 : i1
      %sub3A_77 = arith.constant 1 : i32
      %sub3A_78 = arith.subi %div3A_57, %sub3A_77 : i32
      %select_n3A_79 = arith.select %and3A_76, %sub3A_78, %div3A_57 : i32
      %eq3A_80 = arith.constant 0 : i32
      %eq3A_81 = arith.cmpi eq, %arg1, %eq3A_80 : i32
      %convert_element_type3A_82 = arith.extui %eq3A_81 : i1 to i32
      %cond3A_83 = arith.constant 0 : i32
      %cond3A_84 = arith.cmpi ne, %convert_element_type3A_82, %cond3A_83 : i32
      scf.if %cond3A_84 {
        %dma_start3A_257 = arith.constant 49920 : i32
        %dma_start3A_258 = tpu.memref_slice %arg3[%add3A_55, %dma_start3A_257] : memref<1664x100000xf32, #tpu.memory_space<hbm>> -> memref<8x25088xf32, #tpu.memory_space<hbm>>
        tpu.enqueue_dma source(%dma_start3A_258 : memref<8x25088xf32, #tpu.memory_space<hbm>>) target(%arg8 : memref<8x25088xf32, #tpu.memory_space<vmem_shared>>) target_semaphore(%arg14 : memref<!tpu.dma_semaphore, #tpu.memory_space<semaphore_mem>>)
        %dma_start3A_259 = arith.constant 75008 : i32
        %dma_start3A_260 = tpu.memref_slice %arg3[%add3A_55, %dma_start3A_259] : memref<1664x100000xf32, #tpu.memory_space<hbm>> -> memref<8x24960xf32, #tpu.memory_space<hbm>>
        tpu.enqueue_dma source(%dma_start3A_260 : memref<8x24960xf32, #tpu.memory_space<hbm>>) target(%arg9 : memref<8x24960xf32, #tpu.memory_space<vmem_shared>>) target_semaphore(%arg14 : memref<!tpu.dma_semaphore, #tpu.memory_space<semaphore_mem>>)
      } else {
      }
      %jit3A_85 = arith.constant 8 : i32
      %eq3A_86 = arith.constant 0 : i32
      %eq3A_87 = arith.cmpi eq, %jit3A_85, %eq3A_86 : i32
      %jit3A_88 = arith.constant 1 : i32
      %select_n3A_89 = arith.select %eq3A_87, %jit3A_88, %jit3A_85 : i32
      %rem3A_90 = arith.remsi %scan3A_52, %select_n3A_89 : i32
      %ne3A_91 = arith.constant 0 : i32
      %ne3A_92 = arith.cmpi ne, %rem3A_90, %ne3A_91 : i32
      %lt3A_93 = arith.constant 0 : i32
      %lt3A_94 = arith.cmpi slt, %rem3A_90, %lt3A_93 : i32
      %lt3A_95 = arith.constant 0 : i32
      %lt3A_96 = arith.cmpi slt, %select_n3A_89, %lt3A_95 : i32
      %ne3A_97 = arith.xori %lt3A_94, %lt3A_96 : i1
      %and3A_98 = arith.andi %ne3A_97, %ne3A_92 : i1
      %add3A_99 = arith.addi %rem3A_90, %select_n3A_89 : i32
      %select_n3A_100 = arith.select %and3A_98, %add3A_99, %rem3A_90 : i32
      %eq3A_101 = arith.constant 0 : i32
      %eq3A_102 = arith.cmpi eq, %select_n3A_100, %eq3A_101 : i32
      %convert_element_type3A_103 = arith.extui %eq3A_102 : i1 to i32
      %cond3A_104 = arith.constant 0 : i32
      %cond3A_105 = arith.cmpi ne, %convert_element_type3A_103, %cond3A_104 : i32
      scf.if %cond3A_105 {
        %mul3A_257 = arith.constant 16384 : i32
        %mul3A_258 = arith.muli %select_n3A_79, %mul3A_257 : i32
        %mul3A_259 = arith.constant 8192 : i32
        %mul3A_260 = arith.muli %select_n3A_29, %mul3A_259 : i32
        %add3A_261 = arith.addi %mul3A_258, %mul3A_260 : i32
        "tpu.region"() ({
          %run_scoped3A = tpu.sem_alloc : memref<!tpu.dma_semaphore, #tpu.memory_space<semaphore_mem>>
          %dma_start3A_262 = tpu.memref_slice %arg2[%add3A_261] : memref<425984xi32, #tpu.memory_space<hbm>> -> memref<8192xi32, #tpu.memory_space<hbm>>
          %dma_start3A_263 = tpu.memref_slice %arg2[%add3A_261] : memref<425984xi32, #tpu.memory_space<hbm>> -> memref<8192xi32, #tpu.memory_space<hbm>>
          tpu.enqueue_dma source(%dma_start3A_263 : memref<8192xi32, #tpu.memory_space<hbm>>) target(%arg12 : memref<8192xi32, #tpu.memory_space<vmem>>) target_semaphore(%run_scoped3A : memref<!tpu.dma_semaphore, #tpu.memory_space<semaphore_mem>>)
          %dma_wait3A_264 = tpu.memref_slice %arg2[%add3A_261] : memref<425984xi32, #tpu.memory_space<hbm>> -> memref<8192xi32, #tpu.memory_space<hbm>>
          %dma_wait3A_265 = tpu.memref_slice %arg2[%add3A_261] : memref<425984xi32, #tpu.memory_space<hbm>> -> memref<8192xi32, #tpu.memory_space<hbm>>
          tpu.wait_dma2 semaphore(%run_scoped3A : memref<!tpu.dma_semaphore, #tpu.memory_space<semaphore_mem>>) src(%dma_wait3A_265 : memref<8192xi32, #tpu.memory_space<hbm>>) dst(%arg12 : memref<8192xi32, #tpu.memory_space<vmem>>)
          tpu.yield
        }) : () -> ()
      } else {
      }
      %get3A = arith.index_cast %scan3A_52 : i32 to index
      %get3A_106 = arith.constant 0 : index
      %get3A_107 = tpu.vector_load %arg11[%get3A, %get3A_106] {strides = array<i32>} : memref<104x32xf32, #tpu.memory_space<vmem>>, vector<16xf32>,
      %swap3A = arith.constant 50048 : index
      %swap3A_108 = tpu.vector_load %arg10[%swap3A] {strides = array<i32>} : memref<50080xf32, #tpu.memory_space<vmem>>, vector<16xf32>,
      tpu.vector_store %arg10[%swap3A], %get3A_107 {strides = array<i32>} : memref<50080xf32, #tpu.memory_space<vmem>>, vector<16xf32>,
      %get3A_109 = arith.index_cast %scan3A_52 : i32 to index
      %get3A_110 = arith.constant 16 : index
      %get3A_111 = tpu.vector_load %arg11[%get3A_109, %get3A_110] {strides = array<i32>} : memref<104x32xf32, #tpu.memory_space<vmem>>, vector<16xf32>,
      %swap3A_112 = arith.constant 50064 : index
      %swap3A_113 = tpu.vector_load %arg10[%swap3A_112] {strides = array<i32>} : memref<50080xf32, #tpu.memory_space<vmem>>, vector<16xf32>,
      tpu.vector_store %arg10[%swap3A_112], %get3A_111 {strides = array<i32>} : memref<50080xf32, #tpu.memory_space<vmem>>, vector<16xf32>,
      %gt3A = arith.constant 0 : i32
      %gt3A_114 = arith.cmpi sgt, %scan3A_52, %gt3A : i32
      %convert_element_type3A_115 = arith.extui %gt3A_114 : i1 to i32
      %cond3A_116 = arith.constant 0 : i32
      %cond3A_117 = arith.cmpi ne, %convert_element_type3A_115, %cond3A_116 : i32
      scf.if %cond3A_117 {
        %add3A_257 = arith.addi %add3A_55, %select_n3A_8 : i32
        %mul3A_258 = arith.constant 4 : i32
        %mul3A_259 = arith.muli %select_n3A_29, %mul3A_258 : i32
        %dma_wait3A_260 = arith.constant 0 : i32
        %dma_wait3A_261 = tpu.memref_slice %arg5[%add3A_257, %mul3A_259, %dma_wait3A_260] : memref<1664x8x2048xf32, #tpu.memory_space<hbm>> -> memref<1x4x2048xf32, #tpu.memory_space<hbm>>
        %dma_wait3A_262 = tpu.memref_squeeze %dma_wait3A_261 : memref<1x4x2048xf32, #tpu.memory_space<hbm>> -> memref<4x2048xf32, #tpu.memory_space<hbm>>
        %dma_wait3A_263 = arith.constant 0 : i32
        %dma_wait3A_264 = tpu.memref_slice %arg5[%add3A_257, %mul3A_259, %dma_wait3A_263] : memref<1664x8x2048xf32, #tpu.memory_space<hbm>> -> memref<1x4x2048xf32, #tpu.memory_space<hbm>>
        %dma_wait3A_265 = tpu.memref_squeeze %dma_wait3A_264 : memref<1x4x2048xf32, #tpu.memory_space<hbm>> -> memref<4x2048xf32, #tpu.memory_space<hbm>>
        tpu.wait_dma2 semaphore(%arg15 : memref<!tpu.dma_semaphore, #tpu.memory_space<semaphore_mem>>) src(%arg13 : memref<4x2048xf32, #tpu.memory_space<vmem>>) dst(%dma_wait3A_265 : memref<4x2048xf32, #tpu.memory_space<hbm>>)
      } else {
      }
      %dma_start3A = arith.constant 0 : i32
      %dma_start3A_118 = tpu.memref_slice %arg10[%dma_start3A] : memref<50080xf32, #tpu.memory_space<vmem>> -> memref<25088xf32, #tpu.memory_space<vmem>>
      %dma_start3A_119 = arith.constant 0 : i32
      %dma_start3A_120 = tpu.memref_slice %arg6[%select_n3A_8, %dma_start3A_119] : memref<8x25088xf32, #tpu.memory_space<vmem_shared>> -> memref<1x25088xf32, #tpu.memory_space<vmem_shared>>
      %dma_start3A_121 = tpu.memref_squeeze %dma_start3A_120 : memref<1x25088xf32, #tpu.memory_space<vmem_shared>> -> memref<25088xf32, #tpu.memory_space<vmem_shared>>
      %dma_start3A_122 = arith.constant 0 : i32
      %dma_start3A_123 = tpu.memref_slice %arg10[%dma_start3A_122] : memref<50080xf32, #tpu.memory_space<vmem>> -> memref<25088xf32, #tpu.memory_space<vmem>>
      %dma_start3A_124 = arith.constant 0 : i32
      %dma_start3A_125 = tpu.memref_slice %arg6[%select_n3A_8, %dma_start3A_124] : memref<8x25088xf32, #tpu.memory_space<vmem_shared>> -> memref<1x25088xf32, #tpu.memory_space<vmem_shared>>
      %dma_start3A_126 = tpu.memref_squeeze %dma_start3A_125 : memref<1x25088xf32, #tpu.memory_space<vmem_shared>> -> memref<25088xf32, #tpu.memory_space<vmem_shared>>
      tpu.enqueue_dma source(%dma_start3A_126 : memref<25088xf32, #tpu.memory_space<vmem_shared>>) target(%dma_start3A_123 : memref<25088xf32, #tpu.memory_space<vmem>>) target_semaphore(%arg16 : memref<!tpu.dma_semaphore, #tpu.memory_space<semaphore_mem>>)
      %dma_start3A_127 = arith.constant 25088 : i32
      %dma_start3A_128 = tpu.memref_slice %arg10[%dma_start3A_127] : memref<50080xf32, #tpu.memory_space<vmem>> -> memref<24960xf32, #tpu.memory_space<vmem>>
      %dma_start3A_129 = arith.constant 0 : i32
      %dma_start3A_130 = tpu.memref_slice %arg7[%select_n3A_8, %dma_start3A_129] : memref<8x24960xf32, #tpu.memory_space<vmem_shared>> -> memref<1x24960xf32, #tpu.memory_space<vmem_shared>>
      %dma_start3A_131 = tpu.memref_squeeze %dma_start3A_130 : memref<1x24960xf32, #tpu.memory_space<vmem_shared>> -> memref<24960xf32, #tpu.memory_space<vmem_shared>>
      %dma_start3A_132 = arith.constant 25088 : i32
      %dma_start3A_133 = tpu.memref_slice %arg10[%dma_start3A_132] : memref<50080xf32, #tpu.memory_space<vmem>> -> memref<24960xf32, #tpu.memory_space<vmem>>
      %dma_start3A_134 = arith.constant 0 : i32
      %dma_start3A_135 = tpu.memref_slice %arg7[%select_n3A_8, %dma_start3A_134] : memref<8x24960xf32, #tpu.memory_space<vmem_shared>> -> memref<1x24960xf32, #tpu.memory_space<vmem_shared>>
      %dma_start3A_136 = tpu.memref_squeeze %dma_start3A_135 : memref<1x24960xf32, #tpu.memory_space<vmem_shared>> -> memref<24960xf32, #tpu.memory_space<vmem_shared>>
      tpu.enqueue_dma source(%dma_start3A_136 : memref<24960xf32, #tpu.memory_space<vmem_shared>>) target(%dma_start3A_133 : memref<24960xf32, #tpu.memory_space<vmem>>) target_semaphore(%arg17 : memref<!tpu.dma_semaphore, #tpu.memory_space<semaphore_mem>>)
      %dma_wait3A_137 = arith.constant 0 : i32
      %dma_wait3A_138 = tpu.memref_slice %arg10[%dma_wait3A_137] : memref<50080xf32, #tpu.memory_space<vmem>> -> memref<25088xf32, #tpu.memory_space<vmem>>
      %dma_wait3A_139 = arith.constant 0 : i32
      %dma_wait3A_140 = tpu.memref_slice %arg6[%select_n3A_8, %dma_wait3A_139] : memref<8x25088xf32, #tpu.memory_space<vmem_shared>> -> memref<1x25088xf32, #tpu.memory_space<vmem_shared>>
      %dma_wait3A_141 = tpu.memref_squeeze %dma_wait3A_140 : memref<1x25088xf32, #tpu.memory_space<vmem_shared>> -> memref<25088xf32, #tpu.memory_space<vmem_shared>>
      %dma_wait3A_142 = arith.constant 0 : i32
      %dma_wait3A_143 = tpu.memref_slice %arg10[%dma_wait3A_142] : memref<50080xf32, #tpu.memory_space<vmem>> -> memref<25088xf32, #tpu.memory_space<vmem>>
      %dma_wait3A_144 = arith.constant 0 : i32
      %dma_wait3A_145 = tpu.memref_slice %arg6[%select_n3A_8, %dma_wait3A_144] : memref<8x25088xf32, #tpu.memory_space<vmem_shared>> -> memref<1x25088xf32, #tpu.memory_space<vmem_shared>>
      %dma_wait3A_146 = tpu.memref_squeeze %dma_wait3A_145 : memref<1x25088xf32, #tpu.memory_space<vmem_shared>> -> memref<25088xf32, #tpu.memory_space<vmem_shared>>
      tpu.wait_dma2 semaphore(%arg16 : memref<!tpu.dma_semaphore, #tpu.memory_space<semaphore_mem>>) src(%dma_wait3A_146 : memref<25088xf32, #tpu.memory_space<vmem_shared>>) dst(%dma_wait3A_143 : memref<25088xf32, #tpu.memory_space<vmem>>)
      %dma_wait3A_147 = arith.constant 25088 : i32
      %dma_wait3A_148 = tpu.memref_slice %arg10[%dma_wait3A_147] : memref<50080xf32, #tpu.memory_space<vmem>> -> memref<24960xf32, #tpu.memory_space<vmem>>
      %dma_wait3A_149 = arith.constant 0 : i32
      %dma_wait3A_150 = tpu.memref_slice %arg7[%select_n3A_8, %dma_wait3A_149] : memref<8x24960xf32, #tpu.memory_space<vmem_shared>> -> memref<1x24960xf32, #tpu.memory_space<vmem_shared>>
      %dma_wait3A_151 = tpu.memref_squeeze %dma_wait3A_150 : memref<1x24960xf32, #tpu.memory_space<vmem_shared>> -> memref<24960xf32, #tpu.memory_space<vmem_shared>>
      %dma_wait3A_152 = arith.constant 25088 : i32
      %dma_wait3A_153 = tpu.memref_slice %arg10[%dma_wait3A_152] : memref<50080xf32, #tpu.memory_space<vmem>> -> memref<24960xf32, #tpu.memory_space<vmem>>
      %dma_wait3A_154 = arith.constant 0 : i32
      %dma_wait3A_155 = tpu.memref_slice %arg7[%select_n3A_8, %dma_wait3A_154] : memref<8x24960xf32, #tpu.memory_space<vmem_shared>> -> memref<1x24960xf32, #tpu.memory_space<vmem_shared>>
      %dma_wait3A_156 = tpu.memref_squeeze %dma_wait3A_155 : memref<1x24960xf32, #tpu.memory_space<vmem_shared>> -> memref<24960xf32, #tpu.memory_space<vmem_shared>>
      tpu.wait_dma2 semaphore(%arg17 : memref<!tpu.dma_semaphore, #tpu.memory_space<semaphore_mem>>) src(%dma_wait3A_156 : memref<24960xf32, #tpu.memory_space<vmem_shared>>) dst(%dma_wait3A_153 : memref<24960xf32, #tpu.memory_space<vmem>>)
      %iota3A = tpu.iota {dimensions = array<i32: 0>} : vector<16xi32>
      %parallel_loop3A = arith.constant 0 : i32
      %parallel_loop3A_157 = arith.constant 128 : i32
      %parallel_loop3A_158 = arith.constant 1 : i32
      scf.for %parallel_loop3A_257 = %parallel_loop3A to %parallel_loop3A_157 step %parallel_loop3A_158  : i32 {
        %parallel_loop3A_258 = arith.constant 16 : i32
        %parallel_loop3A_259 = arith.muli %parallel_loop3A_257, %parallel_loop3A_258 : i32
        %parallel_loop3A_260 = arith.constant 0 : i32
        %parallel_loop3A_261 = arith.addi %parallel_loop3A_260, %parallel_loop3A_259 : i32
        %parallel_loop3A_262 = arith.index_cast %parallel_loop3A_261 : i32 to index
        %parallel_loop3A_263 = tpu.vector_load %arg12[%parallel_loop3A_262] {strides = array<i32>} : memref<8192xi32, #tpu.memory_space<vmem>>, vector<16xi32>,
        %parallel_loop3A_264 = arith.constant 50047 : i32
        %parallel_loop3A_265 = vector.broadcast %parallel_loop3A_264 : i32 to vector<16xi32>
        %parallel_loop3A_266 = arith.minsi %parallel_loop3A_263, %parallel_loop3A_265 : vector<16xi32>
        %parallel_loop3A_267 = tpu.vector_load_idx %arg10[%parallel_loop3A_266] : memref<50080xf32, #tpu.memory_space<vmem>>[vector<16xi32>], vector<16xf32>,
        %parallel_loop3A_268 = arith.constant 0 : i32
        %parallel_loop3A_269 = arith.index_cast %parallel_loop3A_268 : i32 to index
        %parallel_loop3A_270 = arith.index_cast %parallel_loop3A_259 : i32 to index
        %parallel_loop3A_271 = tpu.vector_load %arg13[%parallel_loop3A_269, %parallel_loop3A_270] {strides = array<i32>} : memref<4x2048xf32, #tpu.memory_space<vmem>>, vector<16xf32>,
        tpu.vector_store %arg13[%parallel_loop3A_269, %parallel_loop3A_270], %parallel_loop3A_267 {strides = array<i32>} : memref<4x2048xf32, #tpu.memory_space<vmem>>, vector<16xf32>,
      } {sc.loop_unroll_factor = 16 : i64, sc.parallel_access}
      %parallel_loop3A_159 = arith.constant 0 : i32
      %parallel_loop3A_160 = arith.constant 128 : i32
      %parallel_loop3A_161 = arith.constant 1 : i32
      scf.for %parallel_loop3A_257 = %parallel_loop3A_159 to %parallel_loop3A_160 step %parallel_loop3A_161  : i32 {
        %parallel_loop3A_258 = arith.constant 16 : i32
        %parallel_loop3A_259 = arith.muli %parallel_loop3A_257, %parallel_loop3A_258 : i32
        %parallel_loop3A_260 = arith.constant 2048 : i32
        %parallel_loop3A_261 = arith.addi %parallel_loop3A_260, %parallel_loop3A_259 : i32
        %parallel_loop3A_262 = arith.index_cast %parallel_loop3A_261 : i32 to index
        %parallel_loop3A_263 = tpu.vector_load %arg12[%parallel_loop3A_262] {strides = array<i32>} : memref<8192xi32, #tpu.memory_space<vmem>>, vector<16xi32>,
        %parallel_loop3A_264 = arith.constant 50047 : i32
        %parallel_loop3A_265 = vector.broadcast %parallel_loop3A_264 : i32 to vector<16xi32>
        %parallel_loop3A_266 = arith.minsi %parallel_loop3A_263, %parallel_loop3A_265 : vector<16xi32>
        %parallel_loop3A_267 = tpu.vector_load_idx %arg10[%parallel_loop3A_266] : memref<50080xf32, #tpu.memory_space<vmem>>[vector<16xi32>], vector<16xf32>,
        %parallel_loop3A_268 = arith.constant 1 : i32
        %parallel_loop3A_269 = arith.index_cast %parallel_loop3A_268 : i32 to index
        %parallel_loop3A_270 = arith.index_cast %parallel_loop3A_259 : i32 to index
        %parallel_loop3A_271 = tpu.vector_load %arg13[%parallel_loop3A_269, %parallel_loop3A_270] {strides = array<i32>} : memref<4x2048xf32, #tpu.memory_space<vmem>>, vector<16xf32>,
        tpu.vector_store %arg13[%parallel_loop3A_269, %parallel_loop3A_270], %parallel_loop3A_267 {strides = array<i32>} : memref<4x2048xf32, #tpu.memory_space<vmem>>, vector<16xf32>,
      } {sc.loop_unroll_factor = 16 : i64, sc.parallel_access}
      %parallel_loop3A_162 = arith.constant 0 : i32
      %parallel_loop3A_163 = arith.constant 128 : i32
      %parallel_loop3A_164 = arith.constant 1 : i32
      scf.for %parallel_loop3A_257 = %parallel_loop3A_162 to %parallel_loop3A_163 step %parallel_loop3A_164  : i32 {
        %parallel_loop3A_258 = arith.constant 16 : i32
        %parallel_loop3A_259 = arith.muli %parallel_loop3A_257, %parallel_loop3A_258 : i32
        %parallel_loop3A_260 = arith.constant 4096 : i32
        %parallel_loop3A_261 = arith.addi %parallel_loop3A_260, %parallel_loop3A_259 : i32
        %parallel_loop3A_262 = arith.index_cast %parallel_loop3A_261 : i32 to index
        %parallel_loop3A_263 = tpu.vector_load %arg12[%parallel_loop3A_262] {strides = array<i32>} : memref<8192xi32, #tpu.memory_space<vmem>>, vector<16xi32>,
        %parallel_loop3A_264 = arith.constant 50047 : i32
        %parallel_loop3A_265 = vector.broadcast %parallel_loop3A_264 : i32 to vector<16xi32>
        %parallel_loop3A_266 = arith.minsi %parallel_loop3A_263, %parallel_loop3A_265 : vector<16xi32>
        %parallel_loop3A_267 = tpu.vector_load_idx %arg10[%parallel_loop3A_266] : memref<50080xf32, #tpu.memory_space<vmem>>[vector<16xi32>], vector<16xf32>,
        %parallel_loop3A_268 = arith.constant 2 : i32
        %parallel_loop3A_269 = arith.index_cast %parallel_loop3A_268 : i32 to index
        %parallel_loop3A_270 = arith.index_cast %parallel_loop3A_259 : i32 to index
        %parallel_loop3A_271 = tpu.vector_load %arg13[%parallel_loop3A_269, %parallel_loop3A_270] {strides = array<i32>} : memref<4x2048xf32, #tpu.memory_space<vmem>>, vector<16xf32>,
        tpu.vector_store %arg13[%parallel_loop3A_269, %parallel_loop3A_270], %parallel_loop3A_267 {strides = array<i32>} : memref<4x2048xf32, #tpu.memory_space<vmem>>, vector<16xf32>,
      } {sc.loop_unroll_factor = 16 : i64, sc.parallel_access}
      %parallel_loop3A_165 = arith.constant 0 : i32
      %parallel_loop3A_166 = arith.constant 128 : i32
      %parallel_loop3A_167 = arith.constant 1 : i32
      scf.for %parallel_loop3A_257 = %parallel_loop3A_165 to %parallel_loop3A_166 step %parallel_loop3A_167  : i32 {
        %parallel_loop3A_258 = arith.constant 16 : i32
        %parallel_loop3A_259 = arith.muli %parallel_loop3A_257, %parallel_loop3A_258 : i32
        %parallel_loop3A_260 = arith.constant 6144 : i32
        %parallel_loop3A_261 = arith.addi %parallel_loop3A_260, %parallel_loop3A_259 : i32
        %parallel_loop3A_262 = arith.index_cast %parallel_loop3A_261 : i32 to index
        %parallel_loop3A_263 = tpu.vector_load %arg12[%parallel_loop3A_262] {strides = array<i32>} : memref<8192xi32, #tpu.memory_space<vmem>>, vector<16xi32>,
        %parallel_loop3A_264 = arith.constant 50047 : i32
        %parallel_loop3A_265 = vector.broadcast %parallel_loop3A_264 : i32 to vector<16xi32>
        %parallel_loop3A_266 = arith.minsi %parallel_loop3A_263, %parallel_loop3A_265 : vector<16xi32>
        %parallel_loop3A_267 = tpu.vector_load_idx %arg10[%parallel_loop3A_266] : memref<50080xf32, #tpu.memory_space<vmem>>[vector<16xi32>], vector<16xf32>,
        %parallel_loop3A_268 = arith.constant 3 : i32
        %parallel_loop3A_269 = arith.index_cast %parallel_loop3A_268 : i32 to index
        %parallel_loop3A_270 = arith.index_cast %parallel_loop3A_259 : i32 to index
        %parallel_loop3A_271 = tpu.vector_load %arg13[%parallel_loop3A_269, %parallel_loop3A_270] {strides = array<i32>} : memref<4x2048xf32, #tpu.memory_space<vmem>>, vector<16xf32>,
        tpu.vector_store %arg13[%parallel_loop3A_269, %parallel_loop3A_270], %parallel_loop3A_267 {strides = array<i32>} : memref<4x2048xf32, #tpu.memory_space<vmem>>, vector<16xf32>,
      } {sc.loop_unroll_factor = 16 : i64, sc.parallel_access}
      %eq3A_168 = arith.constant 0 : i32
      %eq3A_169 = arith.cmpi eq, %arg1, %eq3A_168 : i32
      %convert_element_type3A_170 = arith.extui %eq3A_169 : i1 to i32
      %cond3A_171 = arith.constant 0 : i32
      %cond3A_172 = arith.cmpi ne, %convert_element_type3A_170, %cond3A_171 : i32
      scf.if %cond3A_172 {
        %dma_wait3A_257 = arith.constant 49920 : i32
        %dma_wait3A_258 = tpu.memref_slice %arg3[%add3A_55, %dma_wait3A_257] : memref<1664x100000xf32, #tpu.memory_space<hbm>> -> memref<8x25088xf32, #tpu.memory_space<hbm>>
        tpu.wait_dma2 semaphore(%arg14 : memref<!tpu.dma_semaphore, #tpu.memory_space<semaphore_mem>>) src(%dma_wait3A_258 : memref<8x25088xf32, #tpu.memory_space<hbm>>) dst(%arg8 : memref<8x25088xf32, #tpu.memory_space<vmem_shared>>)
        %dma_wait3A_259 = arith.constant 75008 : i32
        %dma_wait3A_260 = tpu.memref_slice %arg3[%add3A_55, %dma_wait3A_259] : memref<1664x100000xf32, #tpu.memory_space<hbm>> -> memref<8x24960xf32, #tpu.memory_space<hbm>>
        tpu.wait_dma2 semaphore(%arg14 : memref<!tpu.dma_semaphore, #tpu.memory_space<semaphore_mem>>) src(%dma_wait3A_260 : memref<8x24960xf32, #tpu.memory_space<hbm>>) dst(%arg9 : memref<8x24960xf32, #tpu.memory_space<vmem_shared>>)
      } else {
      }
      %barrier3A_173 = arith.constant 0 : index
      tpu.barrier barrier_id(%barrier3A_173)
      %eq3A_174 = arith.constant 0 : i32
      %eq3A_175 = arith.cmpi eq, %arg1, %eq3A_174 : i32
      %add3A_176 = arith.constant 1 : i32
      %add3A_177 = arith.addi %scan3A_52, %add3A_176 : i32
      %lt3A_178 = arith.constant 104 : i32
      %lt3A_179 = arith.cmpi slt, %add3A_177, %lt3A_178 : i32
      %and3A_180 = arith.andi %eq3A_175, %lt3A_179 : i1
      %convert_element_type3A_181 = arith.extui %and3A_180 : i1 to i32
      %cond3A_182 = arith.constant 0 : i32
      %cond3A_183 = arith.cmpi ne, %convert_element_type3A_181, %cond3A_182 : i32
      scf.if %cond3A_183 {
        %add3A_257 = arith.constant 8 : i32
        %add3A_258 = arith.addi %add3A_55, %add3A_257 : i32
        %dma_start3A_259 = arith.constant 0 : i32
        %dma_start3A_260 = tpu.memref_slice %arg3[%add3A_258, %dma_start3A_259] : memref<1664x100000xf32, #tpu.memory_space<hbm>> -> memref<8x25088xf32, #tpu.memory_space<hbm>>
        tpu.enqueue_dma source(%dma_start3A_260 : memref<8x25088xf32, #tpu.memory_space<hbm>>) target(%arg6 : memref<8x25088xf32, #tpu.memory_space<vmem_shared>>) target_semaphore(%arg14 : memref<!tpu.dma_semaphore, #tpu.memory_space<semaphore_mem>>)
        %add3A_261 = arith.constant 8 : i32
        %add3A_262 = arith.addi %add3A_55, %add3A_261 : i32
        %dma_start3A_263 = arith.constant 25088 : i32
        %dma_start3A_264 = tpu.memref_slice %arg3[%add3A_262, %dma_start3A_263] : memref<1664x100000xf32, #tpu.memory_space<hbm>> -> memref<8x24960xf32, #tpu.memory_space<hbm>>
        tpu.enqueue_dma source(%dma_start3A_264 : memref<8x24960xf32, #tpu.memory_space<hbm>>) target(%arg7 : memref<8x24960xf32, #tpu.memory_space<vmem_shared>>) target_semaphore(%arg14 : memref<!tpu.dma_semaphore, #tpu.memory_space<semaphore_mem>>)
      } else {
      }
      %dma_start3A_184 = arith.constant 0 : i32
      %dma_start3A_185 = tpu.memref_slice %arg10[%dma_start3A_184] : memref<50080xf32, #tpu.memory_space<vmem>> -> memref<25088xf32, #tpu.memory_space<vmem>>
      %dma_start3A_186 = arith.constant 0 : i32
      %dma_start3A_187 = tpu.memref_slice %arg8[%select_n3A_8, %dma_start3A_186] : memref<8x25088xf32, #tpu.memory_space<vmem_shared>> -> memref<1x25088xf32, #tpu.memory_space<vmem_shared>>
      %dma_start3A_188 = tpu.memref_squeeze %dma_start3A_187 : memref<1x25088xf32, #tpu.memory_space<vmem_shared>> -> memref<25088xf32, #tpu.memory_space<vmem_shared>>
      %dma_start3A_189 = arith.constant 0 : i32
      %dma_start3A_190 = tpu.memref_slice %arg10[%dma_start3A_189] : memref<50080xf32, #tpu.memory_space<vmem>> -> memref<25088xf32, #tpu.memory_space<vmem>>
      %dma_start3A_191 = arith.constant 0 : i32
      %dma_start3A_192 = tpu.memref_slice %arg8[%select_n3A_8, %dma_start3A_191] : memref<8x25088xf32, #tpu.memory_space<vmem_shared>> -> memref<1x25088xf32, #tpu.memory_space<vmem_shared>>
      %dma_start3A_193 = tpu.memref_squeeze %dma_start3A_192 : memref<1x25088xf32, #tpu.memory_space<vmem_shared>> -> memref<25088xf32, #tpu.memory_space<vmem_shared>>
      tpu.enqueue_dma source(%dma_start3A_193 : memref<25088xf32, #tpu.memory_space<vmem_shared>>) target(%dma_start3A_190 : memref<25088xf32, #tpu.memory_space<vmem>>) target_semaphore(%arg16 : memref<!tpu.dma_semaphore, #tpu.memory_space<semaphore_mem>>)
      %dma_start3A_194 = arith.constant 25088 : i32
      %dma_start3A_195 = tpu.memref_slice %arg10[%dma_start3A_194] : memref<50080xf32, #tpu.memory_space<vmem>> -> memref<24960xf32, #tpu.memory_space<vmem>>
      %dma_start3A_196 = arith.constant 0 : i32
      %dma_start3A_197 = tpu.memref_slice %arg9[%select_n3A_8, %dma_start3A_196] : memref<8x24960xf32, #tpu.memory_space<vmem_shared>> -> memref<1x24960xf32, #tpu.memory_space<vmem_shared>>
      %dma_start3A_198 = tpu.memref_squeeze %dma_start3A_197 : memref<1x24960xf32, #tpu.memory_space<vmem_shared>> -> memref<24960xf32, #tpu.memory_space<vmem_shared>>
      %dma_start3A_199 = arith.constant 25088 : i32
      %dma_start3A_200 = tpu.memref_slice %arg10[%dma_start3A_199] : memref<50080xf32, #tpu.memory_space<vmem>> -> memref<24960xf32, #tpu.memory_space<vmem>>
      %dma_start3A_201 = arith.constant 0 : i32
      %dma_start3A_202 = tpu.memref_slice %arg9[%select_n3A_8, %dma_start3A_201] : memref<8x24960xf32, #tpu.memory_space<vmem_shared>> -> memref<1x24960xf32, #tpu.memory_space<vmem_shared>>
      %dma_start3A_203 = tpu.memref_squeeze %dma_start3A_202 : memref<1x24960xf32, #tpu.memory_space<vmem_shared>> -> memref<24960xf32, #tpu.memory_space<vmem_shared>>
      tpu.enqueue_dma source(%dma_start3A_203 : memref<24960xf32, #tpu.memory_space<vmem_shared>>) target(%dma_start3A_200 : memref<24960xf32, #tpu.memory_space<vmem>>) target_semaphore(%arg17 : memref<!tpu.dma_semaphore, #tpu.memory_space<semaphore_mem>>)
      %dma_wait3A_204 = arith.constant 0 : i32
      %dma_wait3A_205 = tpu.memref_slice %arg10[%dma_wait3A_204] : memref<50080xf32, #tpu.memory_space<vmem>> -> memref<25088xf32, #tpu.memory_space<vmem>>
      %dma_wait3A_206 = arith.constant 0 : i32
      %dma_wait3A_207 = tpu.memref_slice %arg8[%select_n3A_8, %dma_wait3A_206] : memref<8x25088xf32, #tpu.memory_space<vmem_shared>> -> memref<1x25088xf32, #tpu.memory_space<vmem_shared>>
      %dma_wait3A_208 = tpu.memref_squeeze %dma_wait3A_207 : memref<1x25088xf32, #tpu.memory_space<vmem_shared>> -> memref<25088xf32, #tpu.memory_space<vmem_shared>>
      %dma_wait3A_209 = arith.constant 0 : i32
      %dma_wait3A_210 = tpu.memref_slice %arg10[%dma_wait3A_209] : memref<50080xf32, #tpu.memory_space<vmem>> -> memref<25088xf32, #tpu.memory_space<vmem>>
      %dma_wait3A_211 = arith.constant 0 : i32
      %dma_wait3A_212 = tpu.memref_slice %arg8[%select_n3A_8, %dma_wait3A_211] : memref<8x25088xf32, #tpu.memory_space<vmem_shared>> -> memref<1x25088xf32, #tpu.memory_space<vmem_shared>>
      %dma_wait3A_213 = tpu.memref_squeeze %dma_wait3A_212 : memref<1x25088xf32, #tpu.memory_space<vmem_shared>> -> memref<25088xf32, #tpu.memory_space<vmem_shared>>
      tpu.wait_dma2 semaphore(%arg16 : memref<!tpu.dma_semaphore, #tpu.memory_space<semaphore_mem>>) src(%dma_wait3A_213 : memref<25088xf32, #tpu.memory_space<vmem_shared>>) dst(%dma_wait3A_210 : memref<25088xf32, #tpu.memory_space<vmem>>)
      %dma_wait3A_214 = arith.constant 25088 : i32
      %dma_wait3A_215 = tpu.memref_slice %arg10[%dma_wait3A_214] : memref<50080xf32, #tpu.memory_space<vmem>> -> memref<24960xf32, #tpu.memory_space<vmem>>
      %dma_wait3A_216 = arith.constant 0 : i32
      %dma_wait3A_217 = tpu.memref_slice %arg9[%select_n3A_8, %dma_wait3A_216] : memref<8x24960xf32, #tpu.memory_space<vmem_shared>> -> memref<1x24960xf32, #tpu.memory_space<vmem_shared>>
      %dma_wait3A_218 = tpu.memref_squeeze %dma_wait3A_217 : memref<1x24960xf32, #tpu.memory_space<vmem_shared>> -> memref<24960xf32, #tpu.memory_space<vmem_shared>>
      %dma_wait3A_219 = arith.constant 25088 : i32
      %dma_wait3A_220 = tpu.memref_slice %arg10[%dma_wait3A_219] : memref<50080xf32, #tpu.memory_space<vmem>> -> memref<24960xf32, #tpu.memory_space<vmem>>
      %dma_wait3A_221 = arith.constant 0 : i32
      %dma_wait3A_222 = tpu.memref_slice %arg9[%select_n3A_8, %dma_wait3A_221] : memref<8x24960xf32, #tpu.memory_space<vmem_shared>> -> memref<1x24960xf32, #tpu.memory_space<vmem_shared>>
      %dma_wait3A_223 = tpu.memref_squeeze %dma_wait3A_222 : memref<1x24960xf32, #tpu.memory_space<vmem_shared>> -> memref<24960xf32, #tpu.memory_space<vmem_shared>>
      tpu.wait_dma2 semaphore(%arg17 : memref<!tpu.dma_semaphore, #tpu.memory_space<semaphore_mem>>) src(%dma_wait3A_223 : memref<24960xf32, #tpu.memory_space<vmem_shared>>) dst(%dma_wait3A_220 : memref<24960xf32, #tpu.memory_space<vmem>>)
      %iota3A_224 = tpu.iota {dimensions = array<i32: 0>} : vector<16xi32>
      %parallel_loop3A_225 = arith.constant 0 : i32
      %parallel_loop3A_226 = arith.constant 128 : i32
      %parallel_loop3A_227 = arith.constant 1 : i32
      scf.for %parallel_loop3A_257 = %parallel_loop3A_225 to %parallel_loop3A_226 step %parallel_loop3A_227  : i32 {
        %parallel_loop3A_258 = arith.constant 16 : i32
        %parallel_loop3A_259 = arith.muli %parallel_loop3A_257, %parallel_loop3A_258 : i32
        %parallel_loop3A_260 = arith.constant 0 : i32
        %parallel_loop3A_261 = arith.addi %parallel_loop3A_260, %parallel_loop3A_259 : i32
        %parallel_loop3A_262 = arith.index_cast %parallel_loop3A_261 : i32 to index
        %parallel_loop3A_263 = tpu.vector_load %arg12[%parallel_loop3A_262] {strides = array<i32>} : memref<8192xi32, #tpu.memory_space<vmem>>, vector<16xi32>,
        %parallel_loop3A_264 = arith.constant 49920 : i32
        %parallel_loop3A_265 = vector.broadcast %parallel_loop3A_264 : i32 to vector<16xi32>
        %parallel_loop3A_266 = arith.subi %parallel_loop3A_263, %parallel_loop3A_265 : vector<16xi32>
        %parallel_loop3A_267 = arith.constant 0 : i32
        %parallel_loop3A_268 = vector.broadcast %parallel_loop3A_267 : i32 to vector<16xi32>
        %parallel_loop3A_269 = arith.maxsi %parallel_loop3A_266, %parallel_loop3A_268 : vector<16xi32>
        %parallel_loop3A_270 = tpu.vector_load_idx %arg10[%parallel_loop3A_269] : memref<50080xf32, #tpu.memory_space<vmem>>[vector<16xi32>], vector<16xf32>,
        %parallel_loop3A_271 = arith.constant 0 : i32
        %parallel_loop3A_272 = vector.broadcast %parallel_loop3A_271 : i32 to vector<16xi32>
        %parallel_loop3A_273 = vector.broadcast %parallel_loop3A_259 : i32 to vector<16xi32>
        %parallel_loop3A_274 = arith.addi %parallel_loop3A_273, %iota3A_224 : vector<16xi32>
        %parallel_loop3A_275 = arith.constant 49920 : i32
        %parallel_loop3A_276 = vector.broadcast %parallel_loop3A_275 : i32 to vector<16xi32>
        %parallel_loop3A_277 = arith.cmpi sge, %parallel_loop3A_263, %parallel_loop3A_276 : vector<16xi32>
        tpu.vector_store_idx %arg13[%parallel_loop3A_272, %parallel_loop3A_274], %parallel_loop3A_270 masked %parallel_loop3A_277 : memref<4x2048xf32, #tpu.memory_space<vmem>>[vector<16xi32>, vector<16xi32>], vector<16xf32>, vector<16xi1>
      } {sc.loop_unroll_factor = 16 : i64, sc.parallel_access}
      %parallel_loop3A_228 = arith.constant 0 : i32
      %parallel_loop3A_229 = arith.constant 128 : i32
      %parallel_loop3A_230 = arith.constant 1 : i32
      scf.for %parallel_loop3A_257 = %parallel_loop3A_228 to %parallel_loop3A_229 step %parallel_loop3A_230  : i32 {
        %parallel_loop3A_258 = arith.constant 16 : i32
        %parallel_loop3A_259 = arith.muli %parallel_loop3A_257, %parallel_loop3A_258 : i32
        %parallel_loop3A_260 = arith.constant 2048 : i32
        %parallel_loop3A_261 = arith.addi %parallel_loop3A_260, %parallel_loop3A_259 : i32
        %parallel_loop3A_262 = arith.index_cast %parallel_loop3A_261 : i32 to index
        %parallel_loop3A_263 = tpu.vector_load %arg12[%parallel_loop3A_262] {strides = array<i32>} : memref<8192xi32, #tpu.memory_space<vmem>>, vector<16xi32>,
        %parallel_loop3A_264 = arith.constant 49920 : i32
        %parallel_loop3A_265 = vector.broadcast %parallel_loop3A_264 : i32 to vector<16xi32>
        %parallel_loop3A_266 = arith.subi %parallel_loop3A_263, %parallel_loop3A_265 : vector<16xi32>
        %parallel_loop3A_267 = arith.constant 0 : i32
        %parallel_loop3A_268 = vector.broadcast %parallel_loop3A_267 : i32 to vector<16xi32>
        %parallel_loop3A_269 = arith.maxsi %parallel_loop3A_266, %parallel_loop3A_268 : vector<16xi32>
        %parallel_loop3A_270 = tpu.vector_load_idx %arg10[%parallel_loop3A_269] : memref<50080xf32, #tpu.memory_space<vmem>>[vector<16xi32>], vector<16xf32>,
        %parallel_loop3A_271 = arith.constant 1 : i32
        %parallel_loop3A_272 = vector.broadcast %parallel_loop3A_271 : i32 to vector<16xi32>
        %parallel_loop3A_273 = vector.broadcast %parallel_loop3A_259 : i32 to vector<16xi32>
        %parallel_loop3A_274 = arith.addi %parallel_loop3A_273, %iota3A_224 : vector<16xi32>
        %parallel_loop3A_275 = arith.constant 49920 : i32
        %parallel_loop3A_276 = vector.broadcast %parallel_loop3A_275 : i32 to vector<16xi32>
        %parallel_loop3A_277 = arith.cmpi sge, %parallel_loop3A_263, %parallel_loop3A_276 : vector<16xi32>
        tpu.vector_store_idx %arg13[%parallel_loop3A_272, %parallel_loop3A_274], %parallel_loop3A_270 masked %parallel_loop3A_277 : memref<4x2048xf32, #tpu.memory_space<vmem>>[vector<16xi32>, vector<16xi32>], vector<16xf32>, vector<16xi1>
      } {sc.loop_unroll_factor = 16 : i64, sc.parallel_access}
      %parallel_loop3A_231 = arith.constant 0 : i32
      %parallel_loop3A_232 = arith.constant 128 : i32
      %parallel_loop3A_233 = arith.constant 1 : i32
      scf.for %parallel_loop3A_257 = %parallel_loop3A_231 to %parallel_loop3A_232 step %parallel_loop3A_233  : i32 {
        %parallel_loop3A_258 = arith.constant 16 : i32
        %parallel_loop3A_259 = arith.muli %parallel_loop3A_257, %parallel_loop3A_258 : i32
        %parallel_loop3A_260 = arith.constant 4096 : i32
        %parallel_loop3A_261 = arith.addi %parallel_loop3A_260, %parallel_loop3A_259 : i32
        %parallel_loop3A_262 = arith.index_cast %parallel_loop3A_261 : i32 to index
        %parallel_loop3A_263 = tpu.vector_load %arg12[%parallel_loop3A_262] {strides = array<i32>} : memref<8192xi32, #tpu.memory_space<vmem>>, vector<16xi32>,
        %parallel_loop3A_264 = arith.constant 49920 : i32
        %parallel_loop3A_265 = vector.broadcast %parallel_loop3A_264 : i32 to vector<16xi32>
        %parallel_loop3A_266 = arith.subi %parallel_loop3A_263, %parallel_loop3A_265 : vector<16xi32>
        %parallel_loop3A_267 = arith.constant 0 : i32
        %parallel_loop3A_268 = vector.broadcast %parallel_loop3A_267 : i32 to vector<16xi32>
        %parallel_loop3A_269 = arith.maxsi %parallel_loop3A_266, %parallel_loop3A_268 : vector<16xi32>
        %parallel_loop3A_270 = tpu.vector_load_idx %arg10[%parallel_loop3A_269] : memref<50080xf32, #tpu.memory_space<vmem>>[vector<16xi32>], vector<16xf32>,
        %parallel_loop3A_271 = arith.constant 2 : i32
        %parallel_loop3A_272 = vector.broadcast %parallel_loop3A_271 : i32 to vector<16xi32>
        %parallel_loop3A_273 = vector.broadcast %parallel_loop3A_259 : i32 to vector<16xi32>
        %parallel_loop3A_274 = arith.addi %parallel_loop3A_273, %iota3A_224 : vector<16xi32>
        %parallel_loop3A_275 = arith.constant 49920 : i32
        %parallel_loop3A_276 = vector.broadcast %parallel_loop3A_275 : i32 to vector<16xi32>
        %parallel_loop3A_277 = arith.cmpi sge, %parallel_loop3A_263, %parallel_loop3A_276 : vector<16xi32>
        tpu.vector_store_idx %arg13[%parallel_loop3A_272, %parallel_loop3A_274], %parallel_loop3A_270 masked %parallel_loop3A_277 : memref<4x2048xf32, #tpu.memory_space<vmem>>[vector<16xi32>, vector<16xi32>], vector<16xf32>, vector<16xi1>
      } {sc.loop_unroll_factor = 16 : i64, sc.parallel_access}
      %parallel_loop3A_234 = arith.constant 0 : i32
      %parallel_loop3A_235 = arith.constant 128 : i32
      %parallel_loop3A_236 = arith.constant 1 : i32
      scf.for %parallel_loop3A_257 = %parallel_loop3A_234 to %parallel_loop3A_235 step %parallel_loop3A_236  : i32 {
        %parallel_loop3A_258 = arith.constant 16 : i32
        %parallel_loop3A_259 = arith.muli %parallel_loop3A_257, %parallel_loop3A_258 : i32
        %parallel_loop3A_260 = arith.constant 6144 : i32
        %parallel_loop3A_261 = arith.addi %parallel_loop3A_260, %parallel_loop3A_259 : i32
        %parallel_loop3A_262 = arith.index_cast %parallel_loop3A_261 : i32 to index
        %parallel_loop3A_263 = tpu.vector_load %arg12[%parallel_loop3A_262] {strides = array<i32>} : memref<8192xi32, #tpu.memory_space<vmem>>, vector<16xi32>,
        %parallel_loop3A_264 = arith.constant 49920 : i32
        %parallel_loop3A_265 = vector.broadcast %parallel_loop3A_264 : i32 to vector<16xi32>
        %parallel_loop3A_266 = arith.subi %parallel_loop3A_263, %parallel_loop3A_265 : vector<16xi32>
        %parallel_loop3A_267 = arith.constant 0 : i32
        %parallel_loop3A_268 = vector.broadcast %parallel_loop3A_267 : i32 to vector<16xi32>
        %parallel_loop3A_269 = arith.maxsi %parallel_loop3A_266, %parallel_loop3A_268 : vector<16xi32>
        %parallel_loop3A_270 = tpu.vector_load_idx %arg10[%parallel_loop3A_269] : memref<50080xf32, #tpu.memory_space<vmem>>[vector<16xi32>], vector<16xf32>,
        %parallel_loop3A_271 = arith.constant 3 : i32
        %parallel_loop3A_272 = vector.broadcast %parallel_loop3A_271 : i32 to vector<16xi32>
        %parallel_loop3A_273 = vector.broadcast %parallel_loop3A_259 : i32 to vector<16xi32>
        %parallel_loop3A_274 = arith.addi %parallel_loop3A_273, %iota3A_224 : vector<16xi32>
        %parallel_loop3A_275 = arith.constant 49920 : i32
        %parallel_loop3A_276 = vector.broadcast %parallel_loop3A_275 : i32 to vector<16xi32>
        %parallel_loop3A_277 = arith.cmpi sge, %parallel_loop3A_263, %parallel_loop3A_276 : vector<16xi32>
        tpu.vector_store_idx %arg13[%parallel_loop3A_272, %parallel_loop3A_274], %parallel_loop3A_270 masked %parallel_loop3A_277 : memref<4x2048xf32, #tpu.memory_space<vmem>>[vector<16xi32>, vector<16xi32>], vector<16xf32>, vector<16xi1>
      } {sc.loop_unroll_factor = 16 : i64, sc.parallel_access}
      %add3A_237 = arith.addi %add3A_55, %select_n3A_8 : i32
      %mul3A_238 = arith.constant 4 : i32
      %mul3A_239 = arith.muli %select_n3A_29, %mul3A_238 : i32
      %dma_start3A_240 = arith.constant 0 : i32
      %dma_start3A_241 = tpu.memref_slice %arg5[%add3A_237, %mul3A_239, %dma_start3A_240] : memref<1664x8x2048xf32, #tpu.memory_space<hbm>> -> memref<1x4x2048xf32, #tpu.memory_space<hbm>>
      %dma_start3A_242 = tpu.memref_squeeze %dma_start3A_241 : memref<1x4x2048xf32, #tpu.memory_space<hbm>> -> memref<4x2048xf32, #tpu.memory_space<hbm>>
      %dma_start3A_243 = arith.constant 0 : i32
      %dma_start3A_244 = tpu.memref_slice %arg5[%add3A_237, %mul3A_239, %dma_start3A_243] : memref<1664x8x2048xf32, #tpu.memory_space<hbm>> -> memref<1x4x2048xf32, #tpu.memory_space<hbm>>
      %dma_start3A_245 = tpu.memref_squeeze %dma_start3A_244 : memref<1x4x2048xf32, #tpu.memory_space<hbm>> -> memref<4x2048xf32, #tpu.memory_space<hbm>>
      tpu.enqueue_dma source(%arg13 : memref<4x2048xf32, #tpu.memory_space<vmem>>) target(%dma_start3A_245 : memref<4x2048xf32, #tpu.memory_space<hbm>>) target_semaphore(%arg15 : memref<!tpu.dma_semaphore, #tpu.memory_space<semaphore_mem>>)
      %eq3A_246 = arith.constant 0 : i32
      %eq3A_247 = arith.cmpi eq, %arg1, %eq3A_246 : i32
      %add3A_248 = arith.constant 1 : i32
      %add3A_249 = arith.addi %scan3A_52, %add3A_248 : i32
      %lt3A_250 = arith.constant 104 : i32
      %lt3A_251 = arith.cmpi slt, %add3A_249, %lt3A_250 : i32
      %and3A_252 = arith.andi %eq3A_247, %lt3A_251 : i1
      %convert_element_type3A_253 = arith.extui %and3A_252 : i1 to i32
      %cond3A_254 = arith.constant 0 : i32
      %cond3A_255 = arith.cmpi ne, %convert_element_type3A_253, %cond3A_254 : i32
      scf.if %cond3A_255 {
        %add3A_257 = arith.constant 8 : i32
        %add3A_258 = arith.addi %add3A_55, %add3A_257 : i32
        %dma_wait3A_259 = arith.constant 0 : i32
        %dma_wait3A_260 = tpu.memref_slice %arg3[%add3A_258, %dma_wait3A_259] : memref<1664x100000xf32, #tpu.memory_space<hbm>> -> memref<8x25088xf32, #tpu.memory_space<hbm>>
        tpu.wait_dma2 semaphore(%arg14 : memref<!tpu.dma_semaphore, #tpu.memory_space<semaphore_mem>>) src(%dma_wait3A_260 : memref<8x25088xf32, #tpu.memory_space<hbm>>) dst(%arg6 : memref<8x25088xf32, #tpu.memory_space<vmem_shared>>)
        %add3A_261 = arith.constant 8 : i32
        %add3A_262 = arith.addi %add3A_55, %add3A_261 : i32
        %dma_wait3A_263 = arith.constant 25088 : i32
        %dma_wait3A_264 = tpu.memref_slice %arg3[%add3A_262, %dma_wait3A_263] : memref<1664x100000xf32, #tpu.memory_space<hbm>> -> memref<8x24960xf32, #tpu.memory_space<hbm>>
        tpu.wait_dma2 semaphore(%arg14 : memref<!tpu.dma_semaphore, #tpu.memory_space<semaphore_mem>>) src(%dma_wait3A_264 : memref<8x24960xf32, #tpu.memory_space<hbm>>) dst(%arg7 : memref<8x24960xf32, #tpu.memory_space<vmem_shared>>)
      } else {
      }
      %barrier3A_256 = arith.constant 0 : index
      tpu.barrier barrier_id(%barrier3A_256)
    }
    %scan3A_39 = arith.constant 104 : i32
    %add3A_40 = arith.constant 832 : i32
    %add3A_41 = arith.addi %mul3A_0, %add3A_40 : i32
    %sub3A_42 = arith.constant 8 : i32
    %sub3A_43 = arith.subi %add3A_41, %sub3A_42 : i32
    %add3A_44 = arith.addi %sub3A_43, %select_n3A_8 : i32
    %mul3A_45 = arith.constant 4 : i32
    %mul3A_46 = arith.muli %select_n3A_29, %mul3A_45 : i32
    %dma_wait3A = arith.constant 0 : i32
    %dma_wait3A_47 = tpu.memref_slice %arg5[%add3A_44, %mul3A_46, %dma_wait3A] : memref<1664x8x2048xf32, #tpu.memory_space<hbm>> -> memref<1x4x2048xf32, #tpu.memory_space<hbm>>
    %dma_wait3A_48 = tpu.memref_squeeze %dma_wait3A_47 : memref<1x4x2048xf32, #tpu.memory_space<hbm>> -> memref<4x2048xf32, #tpu.memory_space<hbm>>
    %dma_wait3A_49 = arith.constant 0 : i32
    %dma_wait3A_50 = tpu.memref_slice %arg5[%add3A_44, %mul3A_46, %dma_wait3A_49] : memref<1664x8x2048xf32, #tpu.memory_space<hbm>> -> memref<1x4x2048xf32, #tpu.memory_space<hbm>>
    %dma_wait3A_51 = tpu.memref_squeeze %dma_wait3A_50 : memref<1x4x2048xf32, #tpu.memory_space<hbm>> -> memref<4x2048xf32, #tpu.memory_space<hbm>>
    tpu.wait_dma2 semaphore(%arg15 : memref<!tpu.dma_semaphore, #tpu.memory_space<semaphore_mem>>) src(%arg13 : memref<4x2048xf32, #tpu.memory_space<vmem>>) dst(%dma_wait3A_51 : memref<4x2048xf32, #tpu.memory_space<hbm>>)
    return
  }
}

module attributes {stable_mosaic.version = 14 : i64} {
  func.func @_mm_body(%arg0: i32, %arg1: memref<128x8x2048xf32, #tpu.memory_space<vmem>>, %arg2: memref<128x128xf32, #tpu.memory_space<vmem>>, %arg3: memref<1x128xf32, #tpu.memory_space<vmem>>, %arg4: memref<8x2048x128xf32, #tpu.memory_space<vmem>>) attributes {dimension_semantics = [#tpu.dimension_semantics<arbitrary>], iteration_bounds = array<i64: 13>, scalar_prefetch = 0 : i64, scratch_operands = 0 : i64, tpu.core_type = #tpu.core_type<tc>, window_params = [{transform_indices = @transform_0, window_bounds = array<i64: 128, 8, 2048>}, {transform_indices = @transform_1, window_bounds = array<i64: 128, 128>}, {pipeline_mode = #tpu.pipeline_mode<synchronous>, transform_indices = @transform_2, window_bounds = array<i64: 1, 128>}, {pipeline_mode = #tpu.pipeline_mode<synchronous>, transform_indices = @transform_3, window_bounds = array<i64: 8, 2048, 128>}]} {
    %eq3A = arith.constant 0 : i32
    %eq3A_0 = arith.cmpi eq, %arg0, %eq3A : i32
    %convert_element_type3A = arith.extui %eq3A_0 : i1 to i32
    %cond3A = arith.constant 0 : i32
    %cond3A_1 = arith.cmpi ne, %convert_element_type3A, %cond3A : i32
    scf.if %cond3A_1 {
      %get3A_174 = arith.constant 0 : index
      %get3A_175 = arith.constant 0 : index
      %get3A_176 = vector.load %arg3[%get3A_174, %get3A_175] : memref<1x128xf32, #tpu.memory_space<vmem>>, vector<1x128xf32>
      %get3A_177 = vector.shape_cast %get3A_176 : vector<1x128xf32> to vector<128xf32>
      %broadcast_in_dim3A = vector.shape_cast %get3A_177 : vector<128xf32> to vector<1x1x128xf32>
      %broadcast_in_dim3A_178 = vector.shape_cast %broadcast_in_dim3A : vector<1x1x128xf32> to vector<1x1x128xf32>
      %broadcast_in_dim3A_179 = vector.broadcast %broadcast_in_dim3A_178 : vector<1x1x128xf32> to vector<8x2048x128xf32>
      %swap3A_180 = arith.constant 0 : index
      %swap3A_181 = arith.constant 0 : index
      %swap3A_182 = arith.constant 0 : index
      %swap3A_183 = vector.load %arg4[%swap3A_180, %swap3A_181, %swap3A_182] : memref<8x2048x128xf32, #tpu.memory_space<vmem>>, vector<8x2048x128xf32>
      tpu.vector_store %arg4[%swap3A_180, %swap3A_181, %swap3A_182], %broadcast_in_dim3A_179 {strides = array<i32>} : memref<8x2048x128xf32, #tpu.memory_space<vmem>>, vector<8x2048x128xf32>,
    } else {
    }
    %get3A = arith.constant 0 : index
    %get3A_2 = arith.constant 0 : index
    %get3A_3 = arith.constant 0 : index
    %get3A_4 = vector.load %arg4[%get3A, %get3A_2, %get3A_3] : memref<8x2048x128xf32, #tpu.memory_space<vmem>>, vector<1x2048x128xf32>
    %get3A_5 = vector.shape_cast %get3A_4 : vector<1x2048x128xf32> to vector<2048x128xf32>
    %get3A_6 = arith.constant 0 : index
    %get3A_7 = arith.constant 0 : index
    %get3A_8 = arith.constant 0 : index
    %get3A_9 = vector.load %arg1[%get3A_6, %get3A_7, %get3A_8] : memref<128x8x2048xf32, #tpu.memory_space<vmem>>, vector<128x1x2048xf32>
    %get3A_10 = vector.shape_cast %get3A_9 : vector<128x1x2048xf32> to vector<128x2048xf32>
    %get3A_11 = arith.constant 0 : index
    %get3A_12 = arith.constant 0 : index
    %get3A_13 = vector.load %arg2[%get3A_11, %get3A_12] : memref<128x128xf32, #tpu.memory_space<vmem>>, vector<128x128xf32>
    %dot_general3A = arith.constant dense<0.000000e+00> : vector<2048x128xf32>
    %dot_general3A_14 = tpu.matmul %get3A_10, %get3A_13, %dot_general3A {dimension_numbers = #tpu.dot_dimension_numbers<[0], [1], [1], [0], [0, 1, 1, 0], [], []>, transpose_lhs_hint = false} : vector<128x2048xf32>, vector<128x128xf32>, vector<2048x128xf32> -> vector<2048x128xf32>
    %add3A = arith.addf %get3A_5, %dot_general3A_14 : vector<2048x128xf32>
    %swap3A = arith.constant 0 : index
    %swap3A_15 = arith.constant 0 : index
    %swap3A_16 = arith.constant 0 : index
    %swap3A_17 = vector.load %arg4[%swap3A, %swap3A_15, %swap3A_16] : memref<8x2048x128xf32, #tpu.memory_space<vmem>>, vector<1x2048x128xf32>
    %swap3A_18 = vector.shape_cast %swap3A_17 : vector<1x2048x128xf32> to vector<2048x128xf32>
    %swap3A_19 = vector.shape_cast %add3A : vector<2048x128xf32> to vector<1x2048x128xf32>
    tpu.vector_store %arg4[%swap3A, %swap3A_15, %swap3A_16], %swap3A_19 {strides = array<i32>} : memref<8x2048x128xf32, #tpu.memory_space<vmem>>, vector<1x2048x128xf32>,
    %get3A_20 = arith.constant 1 : index
    %get3A_21 = arith.constant 0 : index
    %get3A_22 = arith.constant 0 : index
    %get3A_23 = vector.load %arg4[%get3A_20, %get3A_21, %get3A_22] : memref<8x2048x128xf32, #tpu.memory_space<vmem>>, vector<1x2048x128xf32>
    %get3A_24 = vector.shape_cast %get3A_23 : vector<1x2048x128xf32> to vector<2048x128xf32>
    %get3A_25 = arith.constant 0 : index
    %get3A_26 = arith.constant 1 : index
    %get3A_27 = arith.constant 0 : index
    %get3A_28 = vector.load %arg1[%get3A_25, %get3A_26, %get3A_27] : memref<128x8x2048xf32, #tpu.memory_space<vmem>>, vector<128x1x2048xf32>
    %get3A_29 = vector.shape_cast %get3A_28 : vector<128x1x2048xf32> to vector<128x2048xf32>
    %get3A_30 = arith.constant 0 : index
    %get3A_31 = arith.constant 0 : index
    %get3A_32 = vector.load %arg2[%get3A_30, %get3A_31] : memref<128x128xf32, #tpu.memory_space<vmem>>, vector<128x128xf32>
    %dot_general3A_33 = arith.constant dense<0.000000e+00> : vector<2048x128xf32>
    %dot_general3A_34 = tpu.matmul %get3A_29, %get3A_32, %dot_general3A_33 {dimension_numbers = #tpu.dot_dimension_numbers<[0], [1], [1], [0], [0, 1, 1, 0], [], []>, transpose_lhs_hint = false} : vector<128x2048xf32>, vector<128x128xf32>, vector<2048x128xf32> -> vector<2048x128xf32>
    %add3A_35 = arith.addf %get3A_24, %dot_general3A_34 : vector<2048x128xf32>
    %swap3A_36 = arith.constant 1 : index
    %swap3A_37 = arith.constant 0 : index
    %swap3A_38 = arith.constant 0 : index
    %swap3A_39 = vector.load %arg4[%swap3A_36, %swap3A_37, %swap3A_38] : memref<8x2048x128xf32, #tpu.memory_space<vmem>>, vector<1x2048x128xf32>
    %swap3A_40 = vector.shape_cast %swap3A_39 : vector<1x2048x128xf32> to vector<2048x128xf32>
    %swap3A_41 = vector.shape_cast %add3A_35 : vector<2048x128xf32> to vector<1x2048x128xf32>
    tpu.vector_store %arg4[%swap3A_36, %swap3A_37, %swap3A_38], %swap3A_41 {strides = array<i32>} : memref<8x2048x128xf32, #tpu.memory_space<vmem>>, vector<1x2048x128xf32>,
    %get3A_42 = arith.constant 2 : index
    %get3A_43 = arith.constant 0 : index
    %get3A_44 = arith.constant 0 : index
    %get3A_45 = vector.load %arg4[%get3A_42, %get3A_43, %get3A_44] : memref<8x2048x128xf32, #tpu.memory_space<vmem>>, vector<1x2048x128xf32>
    %get3A_46 = vector.shape_cast %get3A_45 : vector<1x2048x128xf32> to vector<2048x128xf32>
    %get3A_47 = arith.constant 0 : index
    %get3A_48 = arith.constant 2 : index
    %get3A_49 = arith.constant 0 : index
    %get3A_50 = vector.load %arg1[%get3A_47, %get3A_48, %get3A_49] : memref<128x8x2048xf32, #tpu.memory_space<vmem>>, vector<128x1x2048xf32>
    %get3A_51 = vector.shape_cast %get3A_50 : vector<128x1x2048xf32> to vector<128x2048xf32>
    %get3A_52 = arith.constant 0 : index
    %get3A_53 = arith.constant 0 : index
    %get3A_54 = vector.load %arg2[%get3A_52, %get3A_53] : memref<128x128xf32, #tpu.memory_space<vmem>>, vector<128x128xf32>
    %dot_general3A_55 = arith.constant dense<0.000000e+00> : vector<2048x128xf32>
    %dot_general3A_56 = tpu.matmul %get3A_51, %get3A_54, %dot_general3A_55 {dimension_numbers = #tpu.dot_dimension_numbers<[0], [1], [1], [0], [0, 1, 1, 0], [], []>, transpose_lhs_hint = false} : vector<128x2048xf32>, vector<128x128xf32>, vector<2048x128xf32> -> vector<2048x128xf32>
    %add3A_57 = arith.addf %get3A_46, %dot_general3A_56 : vector<2048x128xf32>
    %swap3A_58 = arith.constant 2 : index
    %swap3A_59 = arith.constant 0 : index
    %swap3A_60 = arith.constant 0 : index
    %swap3A_61 = vector.load %arg4[%swap3A_58, %swap3A_59, %swap3A_60] : memref<8x2048x128xf32, #tpu.memory_space<vmem>>, vector<1x2048x128xf32>
    %swap3A_62 = vector.shape_cast %swap3A_61 : vector<1x2048x128xf32> to vector<2048x128xf32>
    %swap3A_63 = vector.shape_cast %add3A_57 : vector<2048x128xf32> to vector<1x2048x128xf32>
    tpu.vector_store %arg4[%swap3A_58, %swap3A_59, %swap3A_60], %swap3A_63 {strides = array<i32>} : memref<8x2048x128xf32, #tpu.memory_space<vmem>>, vector<1x2048x128xf32>,
    %get3A_64 = arith.constant 3 : index
    %get3A_65 = arith.constant 0 : index
    %get3A_66 = arith.constant 0 : index
    %get3A_67 = vector.load %arg4[%get3A_64, %get3A_65, %get3A_66] : memref<8x2048x128xf32, #tpu.memory_space<vmem>>, vector<1x2048x128xf32>
    %get3A_68 = vector.shape_cast %get3A_67 : vector<1x2048x128xf32> to vector<2048x128xf32>
    %get3A_69 = arith.constant 0 : index
    %get3A_70 = arith.constant 3 : index
    %get3A_71 = arith.constant 0 : index
    %get3A_72 = vector.load %arg1[%get3A_69, %get3A_70, %get3A_71] : memref<128x8x2048xf32, #tpu.memory_space<vmem>>, vector<128x1x2048xf32>
    %get3A_73 = vector.shape_cast %get3A_72 : vector<128x1x2048xf32> to vector<128x2048xf32>
    %get3A_74 = arith.constant 0 : index
    %get3A_75 = arith.constant 0 : index
    %get3A_76 = vector.load %arg2[%get3A_74, %get3A_75] : memref<128x128xf32, #tpu.memory_space<vmem>>, vector<128x128xf32>
    %dot_general3A_77 = arith.constant dense<0.000000e+00> : vector<2048x128xf32>
    %dot_general3A_78 = tpu.matmul %get3A_73, %get3A_76, %dot_general3A_77 {dimension_numbers = #tpu.dot_dimension_numbers<[0], [1], [1], [0], [0, 1, 1, 0], [], []>, transpose_lhs_hint = false} : vector<128x2048xf32>, vector<128x128xf32>, vector<2048x128xf32> -> vector<2048x128xf32>
    %add3A_79 = arith.addf %get3A_68, %dot_general3A_78 : vector<2048x128xf32>
    %swap3A_80 = arith.constant 3 : index
    %swap3A_81 = arith.constant 0 : index
    %swap3A_82 = arith.constant 0 : index
    %swap3A_83 = vector.load %arg4[%swap3A_80, %swap3A_81, %swap3A_82] : memref<8x2048x128xf32, #tpu.memory_space<vmem>>, vector<1x2048x128xf32>
    %swap3A_84 = vector.shape_cast %swap3A_83 : vector<1x2048x128xf32> to vector<2048x128xf32>
    %swap3A_85 = vector.shape_cast %add3A_79 : vector<2048x128xf32> to vector<1x2048x128xf32>
    tpu.vector_store %arg4[%swap3A_80, %swap3A_81, %swap3A_82], %swap3A_85 {strides = array<i32>} : memref<8x2048x128xf32, #tpu.memory_space<vmem>>, vector<1x2048x128xf32>,
    %get3A_86 = arith.constant 4 : index
    %get3A_87 = arith.constant 0 : index
    %get3A_88 = arith.constant 0 : index
    %get3A_89 = vector.load %arg4[%get3A_86, %get3A_87, %get3A_88] : memref<8x2048x128xf32, #tpu.memory_space<vmem>>, vector<1x2048x128xf32>
    %get3A_90 = vector.shape_cast %get3A_89 : vector<1x2048x128xf32> to vector<2048x128xf32>
    %get3A_91 = arith.constant 0 : index
    %get3A_92 = arith.constant 4 : index
    %get3A_93 = arith.constant 0 : index
    %get3A_94 = vector.load %arg1[%get3A_91, %get3A_92, %get3A_93] : memref<128x8x2048xf32, #tpu.memory_space<vmem>>, vector<128x1x2048xf32>
    %get3A_95 = vector.shape_cast %get3A_94 : vector<128x1x2048xf32> to vector<128x2048xf32>
    %get3A_96 = arith.constant 0 : index
    %get3A_97 = arith.constant 0 : index
    %get3A_98 = vector.load %arg2[%get3A_96, %get3A_97] : memref<128x128xf32, #tpu.memory_space<vmem>>, vector<128x128xf32>
    %dot_general3A_99 = arith.constant dense<0.000000e+00> : vector<2048x128xf32>
    %dot_general3A_100 = tpu.matmul %get3A_95, %get3A_98, %dot_general3A_99 {dimension_numbers = #tpu.dot_dimension_numbers<[0], [1], [1], [0], [0, 1, 1, 0], [], []>, transpose_lhs_hint = false} : vector<128x2048xf32>, vector<128x128xf32>, vector<2048x128xf32> -> vector<2048x128xf32>
    %add3A_101 = arith.addf %get3A_90, %dot_general3A_100 : vector<2048x128xf32>
    %swap3A_102 = arith.constant 4 : index
    %swap3A_103 = arith.constant 0 : index
    %swap3A_104 = arith.constant 0 : index
    %swap3A_105 = vector.load %arg4[%swap3A_102, %swap3A_103, %swap3A_104] : memref<8x2048x128xf32, #tpu.memory_space<vmem>>, vector<1x2048x128xf32>
    %swap3A_106 = vector.shape_cast %swap3A_105 : vector<1x2048x128xf32> to vector<2048x128xf32>
    %swap3A_107 = vector.shape_cast %add3A_101 : vector<2048x128xf32> to vector<1x2048x128xf32>
    tpu.vector_store %arg4[%swap3A_102, %swap3A_103, %swap3A_104], %swap3A_107 {strides = array<i32>} : memref<8x2048x128xf32, #tpu.memory_space<vmem>>, vector<1x2048x128xf32>,
    %get3A_108 = arith.constant 5 : index
    %get3A_109 = arith.constant 0 : index
    %get3A_110 = arith.constant 0 : index
    %get3A_111 = vector.load %arg4[%get3A_108, %get3A_109, %get3A_110] : memref<8x2048x128xf32, #tpu.memory_space<vmem>>, vector<1x2048x128xf32>
    %get3A_112 = vector.shape_cast %get3A_111 : vector<1x2048x128xf32> to vector<2048x128xf32>
    %get3A_113 = arith.constant 0 : index
    %get3A_114 = arith.constant 5 : index
    %get3A_115 = arith.constant 0 : index
    %get3A_116 = vector.load %arg1[%get3A_113, %get3A_114, %get3A_115] : memref<128x8x2048xf32, #tpu.memory_space<vmem>>, vector<128x1x2048xf32>
    %get3A_117 = vector.shape_cast %get3A_116 : vector<128x1x2048xf32> to vector<128x2048xf32>
    %get3A_118 = arith.constant 0 : index
    %get3A_119 = arith.constant 0 : index
    %get3A_120 = vector.load %arg2[%get3A_118, %get3A_119] : memref<128x128xf32, #tpu.memory_space<vmem>>, vector<128x128xf32>
    %dot_general3A_121 = arith.constant dense<0.000000e+00> : vector<2048x128xf32>
    %dot_general3A_122 = tpu.matmul %get3A_117, %get3A_120, %dot_general3A_121 {dimension_numbers = #tpu.dot_dimension_numbers<[0], [1], [1], [0], [0, 1, 1, 0], [], []>, transpose_lhs_hint = false} : vector<128x2048xf32>, vector<128x128xf32>, vector<2048x128xf32> -> vector<2048x128xf32>
    %add3A_123 = arith.addf %get3A_112, %dot_general3A_122 : vector<2048x128xf32>
    %swap3A_124 = arith.constant 5 : index
    %swap3A_125 = arith.constant 0 : index
    %swap3A_126 = arith.constant 0 : index
    %swap3A_127 = vector.load %arg4[%swap3A_124, %swap3A_125, %swap3A_126] : memref<8x2048x128xf32, #tpu.memory_space<vmem>>, vector<1x2048x128xf32>
    %swap3A_128 = vector.shape_cast %swap3A_127 : vector<1x2048x128xf32> to vector<2048x128xf32>
    %swap3A_129 = vector.shape_cast %add3A_123 : vector<2048x128xf32> to vector<1x2048x128xf32>
    tpu.vector_store %arg4[%swap3A_124, %swap3A_125, %swap3A_126], %swap3A_129 {strides = array<i32>} : memref<8x2048x128xf32, #tpu.memory_space<vmem>>, vector<1x2048x128xf32>,
    %get3A_130 = arith.constant 6 : index
    %get3A_131 = arith.constant 0 : index
    %get3A_132 = arith.constant 0 : index
    %get3A_133 = vector.load %arg4[%get3A_130, %get3A_131, %get3A_132] : memref<8x2048x128xf32, #tpu.memory_space<vmem>>, vector<1x2048x128xf32>
    %get3A_134 = vector.shape_cast %get3A_133 : vector<1x2048x128xf32> to vector<2048x128xf32>
    %get3A_135 = arith.constant 0 : index
    %get3A_136 = arith.constant 6 : index
    %get3A_137 = arith.constant 0 : index
    %get3A_138 = vector.load %arg1[%get3A_135, %get3A_136, %get3A_137] : memref<128x8x2048xf32, #tpu.memory_space<vmem>>, vector<128x1x2048xf32>
    %get3A_139 = vector.shape_cast %get3A_138 : vector<128x1x2048xf32> to vector<128x2048xf32>
    %get3A_140 = arith.constant 0 : index
    %get3A_141 = arith.constant 0 : index
    %get3A_142 = vector.load %arg2[%get3A_140, %get3A_141] : memref<128x128xf32, #tpu.memory_space<vmem>>, vector<128x128xf32>
    %dot_general3A_143 = arith.constant dense<0.000000e+00> : vector<2048x128xf32>
    %dot_general3A_144 = tpu.matmul %get3A_139, %get3A_142, %dot_general3A_143 {dimension_numbers = #tpu.dot_dimension_numbers<[0], [1], [1], [0], [0, 1, 1, 0], [], []>, transpose_lhs_hint = false} : vector<128x2048xf32>, vector<128x128xf32>, vector<2048x128xf32> -> vector<2048x128xf32>
    %add3A_145 = arith.addf %get3A_134, %dot_general3A_144 : vector<2048x128xf32>
    %swap3A_146 = arith.constant 6 : index
    %swap3A_147 = arith.constant 0 : index
    %swap3A_148 = arith.constant 0 : index
    %swap3A_149 = vector.load %arg4[%swap3A_146, %swap3A_147, %swap3A_148] : memref<8x2048x128xf32, #tpu.memory_space<vmem>>, vector<1x2048x128xf32>
    %swap3A_150 = vector.shape_cast %swap3A_149 : vector<1x2048x128xf32> to vector<2048x128xf32>
    %swap3A_151 = vector.shape_cast %add3A_145 : vector<2048x128xf32> to vector<1x2048x128xf32>
    tpu.vector_store %arg4[%swap3A_146, %swap3A_147, %swap3A_148], %swap3A_151 {strides = array<i32>} : memref<8x2048x128xf32, #tpu.memory_space<vmem>>, vector<1x2048x128xf32>,
    %get3A_152 = arith.constant 7 : index
    %get3A_153 = arith.constant 0 : index
    %get3A_154 = arith.constant 0 : index
    %get3A_155 = vector.load %arg4[%get3A_152, %get3A_153, %get3A_154] : memref<8x2048x128xf32, #tpu.memory_space<vmem>>, vector<1x2048x128xf32>
    %get3A_156 = vector.shape_cast %get3A_155 : vector<1x2048x128xf32> to vector<2048x128xf32>
    %get3A_157 = arith.constant 0 : index
    %get3A_158 = arith.constant 7 : index
    %get3A_159 = arith.constant 0 : index
    %get3A_160 = vector.load %arg1[%get3A_157, %get3A_158, %get3A_159] : memref<128x8x2048xf32, #tpu.memory_space<vmem>>, vector<128x1x2048xf32>
    %get3A_161 = vector.shape_cast %get3A_160 : vector<128x1x2048xf32> to vector<128x2048xf32>
    %get3A_162 = arith.constant 0 : index
    %get3A_163 = arith.constant 0 : index
    %get3A_164 = vector.load %arg2[%get3A_162, %get3A_163] : memref<128x128xf32, #tpu.memory_space<vmem>>, vector<128x128xf32>
    %dot_general3A_165 = arith.constant dense<0.000000e+00> : vector<2048x128xf32>
    %dot_general3A_166 = tpu.matmul %get3A_161, %get3A_164, %dot_general3A_165 {dimension_numbers = #tpu.dot_dimension_numbers<[0], [1], [1], [0], [0, 1, 1, 0], [], []>, transpose_lhs_hint = false} : vector<128x2048xf32>, vector<128x128xf32>, vector<2048x128xf32> -> vector<2048x128xf32>
    %add3A_167 = arith.addf %get3A_156, %dot_general3A_166 : vector<2048x128xf32>
    %swap3A_168 = arith.constant 7 : index
    %swap3A_169 = arith.constant 0 : index
    %swap3A_170 = arith.constant 0 : index
    %swap3A_171 = vector.load %arg4[%swap3A_168, %swap3A_169, %swap3A_170] : memref<8x2048x128xf32, #tpu.memory_space<vmem>>, vector<1x2048x128xf32>
    %swap3A_172 = vector.shape_cast %swap3A_171 : vector<1x2048x128xf32> to vector<2048x128xf32>
    %swap3A_173 = vector.shape_cast %add3A_167 : vector<2048x128xf32> to vector<1x2048x128xf32>
    tpu.vector_store %arg4[%swap3A_168, %swap3A_169, %swap3A_170], %swap3A_173 {strides = array<i32>} : memref<8x2048x128xf32, #tpu.memory_space<vmem>>, vector<1x2048x128xf32>,
    return
  }
  func.func @transform_0(%arg0: i32) -> (i32, i32, i32) {
    %c0_i32 = arith.constant 0 : i32
    %c0_i32_0 = arith.constant 0 : i32
    %c0_i32_1 = arith.constant 0 : i32
    return %arg0, %c0_i32, %c0_i32_0 : i32, i32, i32
  }
  func.func @transform_1(%arg0: i32) -> (i32, i32) {
    %c0_i32 = arith.constant 0 : i32
    %c0_i32_0 = arith.constant 0 : i32
    return %c0_i32, %arg0 : i32, i32
  }
  func.func @transform_2(%arg0: i32) -> (i32, i32) {
    %c0_i32 = arith.constant 0 : i32
    %c0_i32_0 = arith.constant 0 : i32
    %c0_i32_1 = arith.constant 0 : i32
    return %c0_i32, %c0_i32_0 : i32, i32
  }
  func.func @transform_3(%arg0: i32) -> (i32, i32, i32) {
    %c0_i32 = arith.constant 0 : i32
    %c0_i32_0 = arith.constant 0 : i32
    %c0_i32_1 = arith.constant 0 : i32
    %c0_i32_2 = arith.constant 0 : i32
    return %c0_i32, %c0_i32_0, %c0_i32_1 : i32, i32, i32
  }
}

</mosaic_0001>

<sc_bundles>
// kernel: kernel.4.cloned.1.call-start
scs
__scs_entry_jumppad:
0x0: {  	(pc) =	sbr.rel $0x88, $3  }
0x1: {  	(tag) =	ssettag $0x0;
	lr =	simm.s32 $0x1  }
0x2: {  	[smem:$0x3F9D] =	sst lr;
	_ =	strace $0xD0000000  }
0x3: {  	_ = 	snop  }
0x4: {  	_ = 	snop  }
0x5: {  	_ = 	snop  }
0x6: {  	_ = 	snop  }
0x7: {  	_ = 	snop  }
__scs_overlays_trampoline_lowered:
0x8: {  	[smem:$0x3FAC] =	sst s0  }
0x9: {  	[smem:$0x3FAD] =	sst s1  }
0xa: {  	[smem:$0x3FAE] =	sst s2  }
0xb: {  	[smem:$0x3FAF] =	sst s3  }
0xc: {  	[smem:$0x3FB0] =	sst s4  }
0xd: {  	[smem:$0x3FB1] =	sst s5  }
0xe: {  	[smem:$0x3FB2] =	sst s6  }
0xf: {  	[smem:$0x3FB3] =	sst s7  }
0x10: {  	[smem:$0x3FB4] =	sst s8  }
0x11: {  	[smem:$0x3FB5] =	sst s9;
	s0 =	simm.s32 @!p0 $0x0  }
0x12: {  	s1 =	sld [smem:$0x3F9B];
	s0 =	simm.s32 @p0 $0x1  }
0x13: {  	[smem:$0x3FB6] =	sst s0;
	s0 =	simm.s32 @!p1 $0x0  }
0x14: {  	s2 =	sld [smem:$0x3F9A];
	s0 =	simm.s32 @p1 $0x1  }
0x15: {  	[smem:$0x3FB7] =	sst s0;
	s0 =	simm.s32 @!p2 $0x0  }
0x16: {  	s3 =	sld [smem:$0x3FDB];
	s0 =	simm.s32 @p2 $0x1  }
0x17: {  	s4 =	simm.s32 $0x1BF5;
	[smem:$0x3FB9] =	sst s0  }
0x18: {  	s0 =	sld [smem:$0x3F9C];
	_ =	swait.ge [sflag:s4], $0x0  }
0x19: {  	s7 =	sld [smem:$0x3F9D]  }
0x1a: {  	s8 =	sadd.s32 $0xFFFFE003, lr  }
0x1b: {  	s9 =	sadd.s32 $0xFFFFFEF7, lr;
	s5 =	simm.s32 $0xFFFFFFFF;
	p2 =	slt.u32 s8, $0xFFFFF086  }
0x1c: {  	p1 =	slt.u32 s9, $0xF7A;
	s5 =	simm.s32 @!p2 $0x0  }
0x1d: {  	s5 =	simm.s32 @p1 $0x1;
	p0 =	seq.s32 s7, s2  }
0x1e: {  	s7 =	smul.u32 @!p0 $0xF7A, s2;
	p2 =	seq.s32 @!p0 s5, $0x0  }
0x1f: {  	s9 =	smul.u32 $0xF7A, s1;
	s8 =	simm.s32 @!p0 $0x1BF5;
	p2 =	por !p2, p0  }
0x20: {  	[sflag:s8] =	ssyncset.s32 @!p0 $0xFFFFF086;
	s6 =	sadd.s32 @!p0 s3, s7;
	s7 =	simm.s32 @!p0 $0x108  }
0x21: {  	s3 =	sadd.s32 s3, s9;
	s6 =	sadd.s32 @!p0 $0x88, s6;
	s7 =	simm.s32 @p2 $0x1082  }
0x22: {  	[simem:s7], [sflag:s8] =	dma.local @!p0 [hbm:s6], $0xF7A  }
0x23: {  	s9 =	sor.u32 $0xD0000000, s2;
	s6 =	simm.s32 $0x108;
	_ =	swait.ge @!p0 [sflag:s8], $0x0  }
0x24: {  	s3 =	sadd.s32 $0x88, s3;
	s6 =	simm.s32 @!p1 $0x1082;
	[sflag:s4] =	ssyncset.s32 $0xFFFFF086  }
0x25: {  	[simem:s6], [sflag:s4] =	dma.local [hbm:s3], $0xF7A  }
0x26: {  	[smem:$0x3F9D] =	sst s1;
	(tag) =	ssettag s2;
	_ =	strace s9  }
0x27: {  	s1 =	sld [smem:$0x3FAD]  }
0x28: {  	s2 =	sld [smem:$0x3FAE]  }
0x29: {  	s4 =	sld [smem:$0x3FB0]  }
0x2a: {  	p0 =	seq.s32 s5, $0x0;
	s5 =	sld [smem:$0x3FB1]  }
0x2b: {  	s6 =	sld [smem:$0x3FB2]  }
0x2c: {  	s7 =	sld [smem:$0x3FB3]  }
0x2d: {  	s3 =	simm.s32 $0x108;
	s8 =	sld [smem:$0x3FB4]  }
0x2e: {  	s3 =	simm.s32 @!p0 $0x1082;
	s9 =	sld [smem:$0x3FB5]  }
0x2f: {  	lr =	sadd.s32 s0, s3;
	s0 =	sld [smem:$0x3FAC]  }
0x30: {  	s3 =	sld [smem:$0x3FAF]  }
0x31: {  	[smem:$0x3FB8] =	sst s10  }
0x32: {  	s10 =	sld [smem:$0x3FB6];
	_ =	sdelay $0x3  }
0x33: {  	p0 =	seq.s32 s10, $0x1;
	s10 =	sld [smem:$0x3FB8];
	_ =	sdelay $0x3  }
0x34: {  	[smem:$0x3FB8] =	sst s10  }
0x35: {  	s10 =	sld [smem:$0x3FB7];
	_ =	sdelay $0x3  }
0x36: {  	p1 =	seq.s32 s10, $0x1;
	s10 =	sld [smem:$0x3FB8];
	_ =	sdelay $0x3  }
0x37: {  	[smem:$0x3FB8] =	sst s10  }
0x38: {  	s10 =	sld [smem:$0x3FB9]  }
0x39: {  	_ = 	snop;
	(pc) =	sbr.ind lr, $3  }
0x3a: {  	_ = 	snop  }
0x3b: {  	_ = 	snop  }
0x3c: {  	p2 =	seq.s32 s10, $0x1;
	s10 =	sld [smem:$0x3FB8]  }
0x3d: {  	_ =	shalt  }
0x3e: {  	_ =	shalt  }
0x3f: {  	_ =	shalt  }
0x40: {  	_ =	shalt  }
0x41: {  	_ =	shalt  }
0x42: {  	_ =	shalt  }
0x43: {  	_ =	shalt  }
0x44: {  	_ =	shalt  }
0x45: {  	_ =	shalt  }
0x46: {  	_ =	shalt  }
0x47: {  	_ =	shalt  }
0x48: {  	_ =	shalt  }
0x49: {  	_ =	shalt  }
0x4a: {  	_ =	shalt  }
0x4b: {  	_ =	shalt  }
0x4c: {  	_ =	shalt  }
0x4d: {  	_ =	shalt  }
0x4e: {  	_ =	shalt  }
0x4f: {  	_ =	shalt  }
0x50: {  	_ =	shalt  }
0x51: {  	_ =	shalt  }
0x52: {  	_ =	shalt  }
0x53: {  	_ =	shalt  }
0x54: {  	_ =	shalt  }
0x55: {  	_ =	shalt  }
0x56: {  	_ =	shalt  }
0x57: {  	_ =	shalt  }
0x58: {  	_ =	shalt  }
0x59: {  	_ =	shalt  }
0x5a: {  	_ =	shalt  }
0x5b: {  	_ =	shalt  }
0x5c: {  	_ =	shalt  }
0x5d: {  	_ =	shalt  }
0x5e: {  	_ =	shalt  }
0x5f: {  	_ =	shalt  }
0x60: {  	_ =	shalt  }
0x61: {  	_ =	shalt  }
0x62: {  	_ =	shalt  }
0x63: {  	_ =	shalt  }
0x64: {  	_ =	shalt  }
0x65: {  	_ =	shalt  }
0x66: {  	_ =	shalt  }
0x67: {  	_ =	shalt  }
0x68: {  	_ =	shalt  }
0x69: {  	_ =	shalt  }
0x6a: {  	_ =	shalt  }
0x6b: {  	_ =	shalt  }
0x6c: {  	_ =	shalt  }
0x6d: {  	_ =	shalt  }
0x6e: {  	_ =	shalt  }
0x6f: {  	_ =	shalt  }
0x70: {  	_ =	shalt  }
0x71: {  	_ =	shalt  }
0x72: {  	_ =	shalt  }
0x73: {  	_ =	shalt  }
0x74: {  	_ =	shalt  }
0x75: {  	_ =	shalt  }
0x76: {  	_ =	shalt  }
0x77: {  	_ =	shalt  }
0x78: {  	_ =	shalt  }
0x79: {  	_ =	shalt  }
0x7a: {  	_ =	shalt  }
0x7b: {  	_ =	shalt  }
0x7c: {  	_ =	shalt  }
0x7d: {  	_ =	shalt  }
0x7e: {  	_ =	shalt  }
0x7f: {  	_ =	shalt  }
0x80: {  	_ =	shalt  }
0x81: {  	_ =	shalt  }
0x82: {  	_ =	shalt  }
0x83: {  	_ =	shalt  }
0x84: {  	_ =	shalt  }
0x85: {  	_ =	shalt  }
0x86: {  	_ =	shalt  }
0x87: {  	_ =	shalt  }
.Lfunc_end0:
.L_simem_size_0:
called_computation_lowered:
.L_overlay_start_0:
0x88: {  	s2 =	sld [smem:$0x3FD9]  }
0x89: {  	s3 =	sld [smem:$0x3FFE];
	_ =	sdelay $0x1  }
0x8a: {  	s1 =	srdreg.scid  }
0x8b: {  	s0 =	sand.u32 $0x1, s1  }
0x8c: {  	s17 =	sshll.u32 s0, $0xA;
	s2 =	sadd.s32 s3, s2  }
0x8d: {  	s2 =	sadd.s32 s2, s17  }
0x8e: {  	[smem:$0x3FC4] =	sst s2  }
0x8f: {  	_ = 	snop  }
0x90: {  	s2 =	sld [smem:$0x3FC8]  }
0x91: {  	s18 =	sld [smem:$0x3FD0];
	(tm) =	ssettm $0x1  }
0x92: {  	s4 =	sld [smem:$0x3FFB];
	_ =	sdelay $0x3  }
0x93: {  	_ =	strace s4  }
0x94: {  	s4 =	sld [smem:$0x3FFC];
	_ =	sdelay $0x3  }
0x95: {  	_ =	strace s4  }
0x96: {  	s4 =	sld [smem:$0x3FFD];
	_ =	sdelay $0x3  }
0x97: {  	_ =	strace s4  }
0x98: {  	_ =	strace $0x8FFFFFFF  }
0x99: {  	s19 =	sld [smem:$0x3FDB];
	_ =	sdelay $0x1  }
0x9a: {  	s5 =	simm.s32 $_scs_section_size  }
0x9b: {  	s6 =	simm.s32 $_size__tile_overlayer_lowered;
	s7 =	simm.s32 $_tile_overlayer_lowered  }
0x9c: {  	s22 =	simm.s32 $0x1BFF;
	s21 =	sshll.u32 s7, $0x1;
	s4 =	sadd.s32 s5, s19  }
0x9d: {  	s8 =	simm.s32 $0x0;
	s20 =	sshll.u32 s6, $0x1;
	s6 =	sadd.s32 s21, s4  }
0x9e: {  	[timem:s8], [sflag:s22] =	dma.local [hbm:s6], s20  }
0x9f: {  	_ =	swait.ge [sflag:s22], s20  }
0xa0: {  	s5 =	ssub.s32 $0x0, s20;
	[sflag:s22] =	ssyncset.done $0x0  }
0xa1: {  	[sflag:s22] =	ssyncadd.s32 s5;
	_ =	sdelay $0x1  }
0xa2: {  	s23 =	simm.s32 $0x1B8B  }
0xa3: {  	_ =	swait.ge [sflag:s23], $0x1  }
0xa4: {  	[sflag:s23] =	ssyncset.done $0x0  }
0xa5: {  	s25 =	simm.s32 $0x1B8E;
	s24 =	sld [smem:$0x3FFE];
	[sflag:s23] =	ssyncadd.s32 $0xFFFFFFFF  }
0xa6: {  	s26 =	simm.s32 $execute0_lowered;
	[smem:$0x3FD2] =	sst s25  }
0xa7: {  	s6 =	sshll.u32 s26, $0x1;
	_ =	strace $0x80000046;
	[dreg:$0x1] =	wrdreg $0xFFFFFFFF  }
0xa8: {  	s28 =	simm.s32 $_size_execute0_lowered;
	s4 =	sadd.s32 s4, s6;
	[dreg:$0x0] =	wrdreg $0x0  }
0xa9: {  	s6 =	sshll.u32 s28, $0x1;
	[dreg:$0x2] =	wrdreg s4  }
0xaa: {  	[dreg:$0x3] =	wrdreg s6  }
0xab: {  	[dreg:$0x4] =	wrdreg $0xC0  }
0xac: {  	_ =	task [dreg:s8], $0x5FFFF  }
0xad: {  	[dreg:$0x1] =	wrdreg $0xFFFFFFFF  }
0xae: {  	[dreg:$0x0] =	wrdreg $0x60  }
0xaf: {  	[dreg:$0x2] =	wrdreg s18  }
0xb0: {  	[dreg:$0x3] =	wrdreg s2  }
0xb1: {  	[dreg:$0x4] =	wrdreg s24  }
0xb2: {  	[dreg:$0x5] =	wrdreg $0x0  }
0xb3: {  	[dreg:$0x6] =	wrdreg $0x31000  }
0xb4: {  	[dreg:$0x7] =	wrdreg $0x61C00  }
0xb5: {  	[dreg:$0x8] =	wrdreg $0x92C00  }
0xb6: {  	[dreg:$0x9] =	wrdreg $0x9  }
0xb7: {  	_ =	task.clear_ibuf [dreg:s8], $0xAFFFF;
	_ =	strace $0x90000046  }
0xb8: {  	s29 =	simm.s32 $0x9;
	_ =	strace $0x80000048  }
0xb9: {  	_ =	swait.ge [sflag:s29], $0x1  }
0xba: {  	[sflag:s29] =	ssyncadd.s32 $0xFFFFFFFF  }
0xbb: {  	_ =	strace $0x90000048  }
0xbc: {  	_ =	sfence  }
0xbd: {  	s30 =	sld [smem:$0x0];
	_ =	sdelay $0x2  }
0xbe: {  	s31 =	sshll.u32 s1, $0xD;
	s1 =	sshrl.u32 s1, $0x2  }
0xbf: {  	s3 =	sand.u32 $0x4000, s31;
	s1 =	sadd.s32 s1, s30  }
0xc0: {  	s0 =	sor.u32 s3, s0;
	s1 =	sshll.u32 s1, $0x11  }
0xc1: {  	s0 =	sor.u32 s1, s0  }
0xc2: {  	s0 =	sadd.s32 $0x8F2B, s0  }
0xc3: {  	[sflag:s0] =	ssyncadd.remote.s32 $0x1  }
0xc4: {  	_ =	sfence.sel $0xFFFF  }
0xc5: {  	[dreg:$0x0] =	wrdreg $0xFFFFFFFF;
	(pc) =	sbr.abs _section_cstart, $3  }
0xc6: {  	[dreg:$0x1] =	wrdreg $0xFFFFFFFF  }
0xc7: {  	_ =	task.clear_ibuf [dreg:s8], $0x2FFFF;
	_ =	strace $0x9FFFFFFF  }
0xc8: {  	(tm) =	ssettm $0x7FFFFFFF  }
0xc9: {  	_ =	shalt  }
tec
execute0_lowered:
.L_overlay_start_1:
0x0: {  	(tag) =	ssettag $0x1  }
0x1: {  	s1 =	rddreg [dreg:$0x1]  }
0x2: {  	s0 =	rddreg [dreg:$0x2]  }
0x3: {  	s11 =	rddreg [dreg:$0x3]  }
0x4: {  	s12 =	rddreg [dreg:$0x4]  }
0x5: {  	s2 =	stileid.u32;
	s13 =	rddreg [dreg:$0x5]  }
0x6: {  	s4 =	srdreg.scid;
	s17 =	rddreg [dreg:$0x6]  }
0x7: {  	s7 =	simm.s32 $0x0;
	s28 =	simm.s32 $0xC380;
	s29 =	simm.s32 $0x12580  }
0x8: {  	s30 =	simm.s32 $0x3;
	s31 =	simm.s32 $0x4;
	s3 =	sand.u32 $0x7, s2  }
0x9: {  	s4 =	sand.u32 $0x1, s4;
	[smem:$0x7FF] =	sst s7;
	s5 =	smul.u32 $0x6800, s3  }
0xa: {  	s23 =	sshrl.u32 s2, $0x3;
	p0 =	sne.s32 s2, $0x0;
	s6 =	smul.u32 $0x3400, s4  }
0xb: {  	p1 =	seq.s32 s2, $0x0;
	s2 =	simm.s32 $0x0;
	s8 =	smul.u32 $0x340, s4  }
0xc: {  	_ =	strace $0x80000047;
	s4 =	ssub.s32 $0x2, s4;
	s9 =	sshll.u32 s23, $0x6  }
0xd: {  	s24 =	sshll.u32 s3, $0x7;
	s25 =	sshll.u32 s23, $0xD;
	s10 =	sshrl.u32 s4, $0x1  }
0xe: {  	[dreg:$0xb] =	wrdreg s25;
	s14 =	sadd.s32 s24, s11;
	s15 =	sadd.s32 s24, s12  }
0xf: {  	s16 =	sadd.s32 s24, s13;
	s5 =	sadd.s32 s6, s5;
	s22 =	sshrl.u32 s8, $0x3  }
0x10: {  	s4 =	ssub.s32 s4, s10;
	s5 =	sshrl.u32 s5, $0x3;
	s6 =	smul.u32 $0xC3800, s22  }
0x11: {  	s26 =	smax.u32 s4, $0x1;
	s5 =	sadd.s32 s5, s0;
	s0 =	sadd.s32 s9, s0  }
0x12: {  	[dreg:$0xc] =	wrdreg s26;
	s6 =	sshrl.u32 s6, $0x3;
	s5 =	sadd.s32 $0x800, s5  }
0x13: {  	s18 =	sadd.s32 $0x7000, s0;
	s0 =	sshrl.u32 @!p0 s11, $0x3;
	[dreg:$0xa] =	wrdreg s5  }
0x14: {  	s17 =	sadd.s32 s24, s17;
	s6 =	sadd.s32 s1, s6;
	[dreg:$0xd] =	wrdreg s0  }
0x15: {  	s25 =	simm.s32 $0x80;
	s0 =	sshrl.u32 @!p0 s12, $0x3;
	[dreg:$0x8] =	wrdreg s6  }
0x16: {  	v0 =	vimm.s32 $0x0;
	vm0 =	vcmask $0x300;
	s26 =	simm.s32 $0x400;
	s6 =	sadd.s32 $0x6200, s6;
	[dreg:$0xe] =	wrdreg s0  }
0x17: {  	v1 =	vlaneseq.u32;
	v0 =	vsel vm0, $0x9, v0;
	s11 =	simm.s32 $0x2;
	s5 =	simm.s32 $0x1DB80;
	[dreg:$0x9] =	wrdreg s6  }
.LBB2_1:
0x18: {  	[dreg:$0xf] =	wrdreg s2  }
0x19: {  	s2 =	rddreg [dreg:$0x8]  }
0x1a: {  	s0 =	simm.s32 @!p0 $0x1C05;
	s4 =	rddreg [dreg:$0xd]  }
0x1b: {  	[spmem:s4], [sflag:s0] =	dma.local @!p0 [hbm:s2], $0x6200  }
0x1c: {  	s2 =	simm.s32 @!p0 $0x5  }
0x1d: {  	_ =	swait.ge @!p0 [sflag:s2], $0x6200  }
0x1e: {  	[sflag:s2] =	ssyncset.done @!p0 $0x0;
	s4 =	rddreg [dreg:$0x9]  }
0x1f: {  	s6 =	rddreg [dreg:$0xe];
	[sflag:s2] =	ssyncadd.s32 @!p0 $0xFFFF9E00  }
0x20: {  	[spmem:s6], [sflag:s0] =	dma.local @!p0 [hbm:s4], $0x6180  }
0x21: {  	_ =	swait.ge @!p0 [sflag:s2], $0x6180  }
0x22: {  	s21 =	simm.s32 $0x0;
	s23 =	simm.s32 $0x18780;
	[sflag:s2] =	ssyncset.done @!p0 $0x0  }
0x23: {  	s24 =	simm.s32 $0x5;
	s22 =	rddreg [dreg:$0xa];
	[sflag:s2] =	ssyncadd.s32 @!p0 $0xFFFF9E80  }
0x24: {  	[tilespmem:s23], [sflag:$0x5] =	stream.linear.gather [hbm4b:s22+s21], $0x3400, $0x38;
	[tilespmem:$0x1FB80] =	vst v63  }
0x25: {  	_ =	swait.ge [sflag:s24], $0x3400  }
0x26: {  	[sflag:s24] =	ssyncset.done $0x0  }
0x27: {  	[sflag:s24] =	ssyncadd.s32 $0xFFFFCC00  }
0x28: {  	s19 =	simm.s32 $0x0;
	[bflag:$0x0] =	sbarrier.arrive $0xFFFF  }
.LBB2_2:
0x29: {  	s0 =	sshll.u32 s19, $0x3  }
0x2a: {  	s20 =	sadd.s32 s8, s0  }
0x2b: {  	s0 =	sshrl.u32 @!p0 s20, $0x3  }
0x2c: {  	s0 =	smul.u32 @!p0 $0xC3800, s0;
	_ =	sdelay $0x1  }
0x2d: {  	s0 =	sshrl.u32 @!p0 s0, $0x3  }
0x2e: {  	s4 =	rddreg [dreg:$0x5];
	s2 =	sadd.s32 @!p0 s1, s0  }
0x2f: {  	s6 =	simm.s32 @!p0 $0x1C01;
	s4 =	sshrl.u32 @!p0 s4, $0x3;
	s0 =	sadd.s32 @!p0 $0xC300, s2  }
0x30: {  	[spmem:s4], [sflag:s6] =	dma.local @!p0 [hbm:s0], $0x6200  }
0x31: {  	s0 =	sand.u32 $0x7, s19  }
0x32: {  	p2 =	seq.s32 s0, $0x0  }
.Ltmp0:
0x33: {  	_ = 	snop;
	(pc) =	sbr.rel @p2 .LBB2_4-.Ltmp0, $4  }
0x34: {  	_ = 	snop  }
0x35: {  	s4 =	rddreg [dreg:$0x6]  }
0x36: {  	s2 =	sadd.s32 @!p0 $0x12500, s2;
	s4 =	sshrl.u32 @!p0 s4, $0x3  }
0x37: {  	[spmem:s4], [sflag:s6] =	dma.local @!p0 [hbm:s2], $0x6180  }
0x38: {  	s0 =	sshll.u32 s19, $0x7  }
0x39: {  	s0 =	sand.u32 $0x3FFFFF80, s0  }
0x3a: {  	v2 =	vld [tilespmem:s0+$0x18780];
	_ =	sdelay $0x4  }
0x3b: {  	[tilespmem:$0x18700] =	vst v2  }
0x3c: {  	v2 =	vld [tilespmem:s0+$0x18790]  }
.Ltmp1:
0x3d: {  	_ = 	snop;
	(pc) =	sbr.rel .LBB2_5-.Ltmp1, $2  }
0x3e: {  	_ =	sdelay $0x2  }
0x3f: {  	[tilespmem:$0x18710] =	vst v2  }
.LBB2_4:
0x40: {  	p2 =	seq.s32 s20, $0x0;
	p3 =	sne.s32 s0, $0x0  }
0x41: {  	p2 =	por !p3, !p2  }
0x42: {  	s0 =	simm.s32 $0x1;
	p2 =	por !p2, !p2  }
0x43: {  	s2 =	sshrl.u32 s20, $0x6;
	s0 =	simm.s32 @!p2 $0x0  }
0x44: {  	s0 =	ssub.s32 s2, s0  }
0x45: {  	s13 =	rddreg [dreg:$0xb];
	s0 =	sshll.u32 s0, $0xE  }
0x46: {  	s0 =	sor.u32 s13, s0  }
0x47: {  	s21 =	rddreg [dreg:$0x0];
	s22 =	simm.s32 $0x0;
	s0 =	sshrl.u32 s0, $0x3  }
0x48: {  	s4 =	simm.s32 $0x1BB80;
	s23 =	simm.s32 $0x5;
	s0 =	sadd.s32 s21, s0  }
0x49: {  	[tilespmem:s4], [sflag:$0x5] =	stream.linear.gather [hbm4b:s0+s22], $0x2000, $0x38;
	[tilespmem:$0x1FB80] =	vst v63  }
0x4a: {  	_ =	swait.ge [sflag:s23], $0x2000  }
0x4b: {  	s24 =	sshll.u32 s19, $0x7;
	[sflag:s23] =	ssyncset.done $0x0  }
0x4c: {  	s0 =	sand.u32 $0x3FFFFF80, s24;
	[sflag:s23] =	ssyncadd.s32 $0xFFFFE000  }
0x4d: {  	v2 =	vld [tilespmem:s0+$0x18780];
	_ =	sdelay $0x4  }
0x4e: {  	[tilespmem:$0x18700] =	vst v2  }
0x4f: {  	p2 =	seq.s32 s19, $0x0;
	v2 =	vld [tilespmem:s0+$0x18790]  }
.Ltmp2:
0x50: {  	_ = 	snop;
	(pc) =	sbr.rel @p2 .LBB2_6-.Ltmp2, $2  }
0x51: {  	_ =	sdelay $0x2  }
0x52: {  	[tilespmem:$0x18710] =	vst v2  }
.LBB2_5:
0x53: {  	_ =	swait.ge [sflag:s11], $0x2000  }
0x54: {  	[sflag:s11] =	ssyncset.done $0x0  }
0x55: {  	[sflag:s11] =	ssyncadd.s32 $0xFFFFE000  }
.LBB2_6:
0x56: {  	[tilespmem:s28], [sflag:$0x3] =	stream.strided.gather [spmem:s14], $0x6200, s26, s25, $0x38;
	[tilespmem:$0x1FB80] =	vst v63  }
0x57: {  	_ = 	snop  }
0x58: {  	[tilespmem:s29], [sflag:$0x4] =	stream.strided.gather [spmem:s15], $0x6180, s26, s25, $0x38;
	[tilespmem:$0x1FB80] =	vst v63  }
0x59: {  	_ =	swait.ge [sflag:s30], $0x6200  }
0x5a: {  	[sflag:s30] =	ssyncset.done $0x0  }
0x5b: {  	[sflag:s30] =	ssyncadd.s32 $0xFFFF9E00  }
0x5c: {  	_ =	swait.ge [sflag:s31], $0x6180  }
0x5d: {  	[sflag:s31] =	ssyncset.done $0x0  }
0x5e: {  	s0 =	simm.s32 $0x1BC00;
	[sflag:s31] =	ssyncadd.s32 $0xFFFF9E80  }
0x5f: {  	v2 =	vld [tilespmem:s0+$0x70]  }
0x60: {  	v3 =	vld [tilespmem:s0+$0xFFFFFF90]  }
0x61: {  	v4 =	vld [tilespmem:s0+$0xFFFFFFA0]  }
0x62: {  	v5 =	vld [tilespmem:s0+$0xFFFFFFB0]  }
0x63: {  	v6 =	vld [tilespmem:s0+$0xFFFFFFC0]  }
0x64: {  	v7 =	vld [tilespmem:s0+$0xFFFFFFD0]  }
0x65: {  	v8 =	vld [tilespmem:s0+$0xFFFFFFE0]  }
0x66: {  	v9 =	vld [tilespmem:s0+$0xFFFFFFF0]  }
0x67: {  	v10 =	vld [tilespmem:s0+$0x0]  }
0x68: {  	v11 =	vld [tilespmem:s0+$0x10]  }
0x69: {  	v12 =	vld [tilespmem:s0+$0x20];
	vm0 =	vlt.s32 v2, $0xC37F  }
0x6a: {  	v13 =	vld [tilespmem:s0+$0x30];
	vm14 =	vlt.s32 v3, $0xC37F;
	v2 =	vnsel vm0, $0xC37F, v2  }
0x6b: {  	v14 =	vld [tilespmem:s0+$0x40];
	vm15 =	vlt.s32 v4, $0xC37F;
	v3 =	vnsel vm14, $0xC37F, v3  }
0x6c: {  	v15 =	vld [tilespmem:s0+$0x50];
	vm4 =	vlt.s32 v5, $0xC37F;
	v4 =	vnsel vm15, $0xC37F, v4  }
0x6d: {  	v16 =	vld [tilespmem:s0+$0x60];
	vm5 =	vlt.s32 v6, $0xC37F;
	v5 =	vnsel vm4, $0xC37F, v5  }
0x6e: {  	v17 =	vld [tilespmem:s0+$0xFFFFFF80];
	vm6 =	vlt.s32 v7, $0xC37F;
	v6 =	vnsel vm5, $0xC37F, v6  }
0x6f: {  	vm7 =	vlt.s32 v8, $0xC37F;
	v7 =	vnsel vm6, $0xC37F, v7;
	v2 =	vld.idx.msk [tilespmem:v2+s28+$0x0], $0xffff  }
0x70: {  	vm8 =	vlt.s32 v9, $0xC37F;
	v8 =	vnsel vm7, $0xC37F, v8;
	v3 =	vld.idx.msk [tilespmem:v3+s28+$0x0], $0xffff  }
0x71: {  	vm9 =	vlt.s32 v10, $0xC37F;
	v9 =	vnsel vm8, $0xC37F, v9;
	v4 =	vld.idx.msk [tilespmem:v4+s28+$0x0], $0xffff  }
0x72: {  	vm10 =	vlt.s32 v11, $0xC37F;
	v10 =	vnsel vm9, $0xC37F, v10;
	v5 =	vld.idx.msk [tilespmem:v5+s28+$0x0], $0xffff  }
0x73: {  	vm11 =	vlt.s32 v12, $0xC37F;
	v11 =	vnsel vm10, $0xC37F, v11;
	v6 =	vld.idx.msk [tilespmem:v6+s28+$0x0], $0xffff  }
0x74: {  	s0 =	simm.s32 $0x1DD80;
	vm1 =	vlt.s32 v13, $0xC37F;
	v12 =	vnsel vm11, $0xC37F, v12;
	v7 =	vld.idx.msk [tilespmem:v7+s28+$0x0], $0xffff  }
0x75: {  	vm12 =	vlt.s32 v17, $0xC37F;
	v13 =	vnsel vm1, $0xC37F, v13;
	v8 =	vld.idx.msk [tilespmem:v8+s28+$0x0], $0xffff;
	[tilespmem:s0+$0x70] =	vst v2  }
0x76: {  	vm13 =	vlt.s32 v14, $0xC37F;
	v9 =	vld.idx.msk [tilespmem:v9+s28+$0x0], $0xffff;
	v2 =	vnsel vm12, $0xC37F, v17;
	[tilespmem:s0+$0xFFFFFE10] =	vst v3  }
0x77: {  	v14 =	vnsel vm13, $0xC37F, v14;
	vm14 =	vlt.s32 v15, $0xC37F;
	v10 =	vld.idx.msk [tilespmem:v10+s28+$0x0], $0xffff;
	[tilespmem:s0+$0xFFFFFE20] =	vst v4  }
0x78: {  	vm15 =	vlt.s32 v16, $0xC37F;
	v15 =	vnsel vm14, $0xC37F, v15;
	v11 =	vld.idx.msk [tilespmem:v11+s28+$0x0], $0xffff;
	[tilespmem:s0+$0xFFFFFE30] =	vst v5  }
0x79: {  	v16 =	vnsel vm15, $0xC37F, v16;
	[tilespmem:s0+$0xFFFFFE40] =	vst v6;
	v3 =	vld.idx.msk [tilespmem:v12+s28+$0x0], $0xffff  }
0x7a: {  	[tilespmem:s0+$0xFFFFFE50] =	vst v7;
	v4 =	vld.idx.msk [tilespmem:v13+s28+$0x0], $0xffff  }
0x7b: {  	[tilespmem:s0+$0xFFFFFE60] =	vst v8;
	v2 =	vld.idx.msk [tilespmem:v2+s28+$0x0], $0xffff  }
0x7c: {  	[tilespmem:s0+$0xFFFFFE70] =	vst v9;
	v5 =	vld.idx.msk [tilespmem:v14+s28+$0x0], $0xffff  }
0x7d: {  	s21 =	simm.s32 $0x0;
	[tilespmem:s0+$0x0] =	vst v10;
	v6 =	vld.idx.msk [tilespmem:v15+s28+$0x0], $0xffff  }
0x7e: {  	s9 =	simm.s32 $0x1C470;
	s10 =	simm.s32 $0x1DE00;
	s24 =	simm.s32 $0x1BD00;
	[tilespmem:s0+$0x10] =	vst v11;
	v7 =	vld.idx.msk [tilespmem:v16+s28+$0x0], $0xffff  }
.LBB2_7:
0x7f: {  	v8 =	vld [tilespmem:s24+$0x70];
	s21 =	sadd.s32 $0x10, s21;
	[tilespmem:s0+$0x20] =	vst v3  }
0x80: {  	v3 =	vld [tilespmem:s24+$0xFFFFFF90];
	p2 =	slt.u32 s21, $0x70;
	[tilespmem:s0+$0xFFFFFE00] =	vst v2  }
0x81: {  	v2 =	vld [tilespmem:s24+$0xFFFFFFA0];
	[tilespmem:s0+$0x30] =	vst v4  }
0x82: {  	v4 =	vld [tilespmem:s24+$0xFFFFFFB0];
	[tilespmem:s0+$0x40] =	vst v5  }
0x83: {  	v5 =	vld [tilespmem:s24+$0xFFFFFFC0];
	[tilespmem:s0+$0x50] =	vst v6  }
0x84: {  	v6 =	vld [tilespmem:s24+$0xFFFFFFD0];
	vm0 =	vlt.s32 v8, $0xC37F;
	[tilespmem:s0+$0x60] =	vst v7  }
0x85: {  	vm1 =	vlt.s32 v3, $0xC37F;
	v7 =	vld [tilespmem:s24+$0xFFFFFFE0];
	v8 =	vnsel vm0, $0xC37F, v8  }
0x86: {  	v3 =	vnsel vm1, $0xC37F, v3;
	vm0 =	vlt.s32 v2, $0xC37F;
	v9 =	vld [tilespmem:s24+$0xFFFFFFF0]  }
0x87: {  	v2 =	vnsel vm0, $0xC37F, v2;
	vm0 =	vlt.s32 v4, $0xC37F;
	v10 =	vld [tilespmem:s24+$0x0]  }
0x88: {  	v4 =	vnsel vm0, $0xC37F, v4;
	vm0 =	vlt.s32 v5, $0xC37F;
	v11 =	vld [tilespmem:s24+$0x10]  }
0x89: {  	v5 =	vnsel vm0, $0xC37F, v5;
	vm0 =	vlt.s32 v6, $0xC37F;
	v12 =	vld [tilespmem:s24+$0x20]  }
0x8a: {  	v6 =	vnsel vm0, $0xC37F, v6;
	vm0 =	vlt.s32 v7, $0xC37F;
	v8 =	vld.idx.msk [tilespmem:v8+s28+$0x0], $0xffff  }
0x8b: {  	v7 =	vnsel vm0, $0xC37F, v7;
	vm0 =	vlt.s32 v9, $0xC37F;
	v13 =	vld [tilespmem:s24+$0x30]  }
0x8c: {  	v9 =	vnsel vm0, $0xC37F, v9;
	vm0 =	vlt.s32 v10, $0xC37F;
	v14 =	vld [tilespmem:s24+$0x40]  }
0x8d: {  	v10 =	vnsel vm0, $0xC37F, v10;
	vm0 =	vlt.s32 v11, $0xC37F;
	v15 =	vld [tilespmem:s24+$0x50]  }
0x8e: {  	v11 =	vnsel vm0, $0xC37F, v11;
	vm0 =	vlt.s32 v12, $0xC37F;
	v16 =	vld [tilespmem:s24+$0x60]  }
0x8f: {  	s0 =	sadd.s32 $0x400, s0;
	v17 =	vld [tilespmem:s24+$0xFFFFFF80];
	v12 =	vnsel vm0, $0xC37F, v12  }
0x90: {  	v3 =	vld.idx.msk [tilespmem:v3+s28+$0x0], $0xffff;
	vm0 =	vlt.s32 v13, $0xC37F;
	[tilespmem:s0+$0x70] =	vst v8  }
0x91: {  	v2 =	vld.idx.msk [tilespmem:v2+s28+$0x0], $0xffff;
	v8 =	vnsel vm0, $0xC37F, v13;
	vm0 =	vlt.s32 v14, $0xC37F  }
0x92: {  	v4 =	vld.idx.msk [tilespmem:v4+s28+$0x0], $0xffff;
	v13 =	vnsel vm0, $0xC37F, v14;
	vm0 =	vlt.s32 v15, $0xC37F  }
0x93: {  	v5 =	vld.idx.msk [tilespmem:v5+s28+$0x0], $0xffff;
	v14 =	vnsel vm0, $0xC37F, v15;
	vm0 =	vlt.s32 v16, $0xC37F  }
0x94: {  	vm1 =	vlt.s32 v17, $0xC37F;
	v6 =	vld.idx.msk [tilespmem:v6+s28+$0x0], $0xffff;
	v15 =	vnsel vm0, $0xC37F, v16  }
0x95: {  	v16 =	vnsel vm1, $0xC37F, v17;
	v7 =	vld.idx.msk [tilespmem:v7+s28+$0x0], $0xffff  }
0x96: {  	[tilespmem:s0+$0xFFFFFE10] =	vst v3;
	v9 =	vld.idx.msk [tilespmem:v9+s28+$0x0], $0xffff  }
0x97: {  	[tilespmem:s0+$0xFFFFFE20] =	vst v2;
	v10 =	vld.idx.msk [tilespmem:v10+s28+$0x0], $0xffff  }
0x98: {  	[tilespmem:s0+$0xFFFFFE30] =	vst v4;
	v11 =	vld.idx.msk [tilespmem:v11+s28+$0x0], $0xffff  }
0x99: {  	[tilespmem:s0+$0xFFFFFE40] =	vst v5;
	v3 =	vld.idx.msk [tilespmem:v12+s28+$0x0], $0xffff  }
.Ltmp3:
0x9a: {  	v2 =	vld.idx.msk [tilespmem:v16+s28+$0x0], $0xffff;
	[tilespmem:s0+$0xFFFFFE50] =	vst v6;
	(pc) =	sbr.rel @p2 .LBB2_7-.Ltmp3, $4  }
0x9b: {  	[tilespmem:s0+$0xFFFFFE60] =	vst v7;
	v4 =	vld.idx.msk [tilespmem:v8+s28+$0x0], $0xffff  }
0x9c: {  	[tilespmem:s0+$0xFFFFFE70] =	vst v9;
	v5 =	vld.idx.msk [tilespmem:v13+s28+$0x0], $0xffff  }
0x9d: {  	[tilespmem:s0+$0x0] =	vst v10;
	v6 =	vld.idx.msk [tilespmem:v14+s28+$0x0], $0xffff  }
0x9e: {  	s24 =	sadd.s32 $0x100, s24;
	[tilespmem:s0+$0x10] =	vst v11;
	v7 =	vld.idx.msk [tilespmem:v15+s28+$0x0], $0xffff  }
0x9f: {  	[tilespmem:s0+$0x20] =	vst v3  }
0xa0: {  	[tilespmem:s0+$0xFFFFFE00] =	vst v2  }
0xa1: {  	[tilespmem:s0+$0x30] =	vst v4  }
0xa2: {  	[tilespmem:s0+$0x40] =	vst v5  }
0xa3: {  	[tilespmem:s0+$0x50] =	vst v6  }
0xa4: {  	[tilespmem:s0+$0x60] =	vst v7  }
0xa5: {  	v2 =	vld [tilespmem:s9+$0x0]  }
0xa6: {  	v3 =	vld [tilespmem:s9+$0xFFFFFF20]  }
0xa7: {  	v4 =	vld [tilespmem:s9+$0xFFFFFF30]  }
0xa8: {  	v5 =	vld [tilespmem:s9+$0xFFFFFF40]  }
0xa9: {  	v6 =	vld [tilespmem:s9+$0xFFFFFF50]  }
0xaa: {  	v7 =	vld [tilespmem:s9+$0xFFFFFF60]  }
0xab: {  	v8 =	vld [tilespmem:s9+$0xFFFFFF70]  }
0xac: {  	v9 =	vld [tilespmem:s9+$0xFFFFFF80]  }
0xad: {  	v10 =	vld [tilespmem:s9+$0xFFFFFF90]  }
0xae: {  	v11 =	vld [tilespmem:s9+$0xFFFFFFA0]  }
0xaf: {  	v12 =	vld [tilespmem:s9+$0xFFFFFFB0];
	vm0 =	vlt.s32 v2, $0xC37F  }
0xb0: {  	v13 =	vld [tilespmem:s9+$0xFFFFFFC0];
	vm14 =	vlt.s32 v3, $0xC37F;
	v2 =	vnsel vm0, $0xC37F, v2  }
0xb1: {  	v14 =	vld [tilespmem:s9+$0xFFFFFFD0];
	vm15 =	vlt.s32 v4, $0xC37F;
	v3 =	vnsel vm14, $0xC37F, v3  }
0xb2: {  	v15 =	vld [tilespmem:s9+$0xFFFFFFE0];
	vm4 =	vlt.s32 v5, $0xC37F;
	v4 =	vnsel vm15, $0xC37F, v4  }
0xb3: {  	v16 =	vld [tilespmem:s9+$0xFFFFFFF0];
	vm5 =	vlt.s32 v6, $0xC37F;
	v5 =	vnsel vm4, $0xC37F, v5  }
0xb4: {  	v17 =	vld [tilespmem:s9+$0xFFFFFF10];
	vm6 =	vlt.s32 v7, $0xC37F;
	v6 =	vnsel vm5, $0xC37F, v6  }
0xb5: {  	vm7 =	vlt.s32 v8, $0xC37F;
	v7 =	vnsel vm6, $0xC37F, v7;
	v2 =	vld.idx.msk [tilespmem:v2+s28+$0x0], $0xffff  }
0xb6: {  	vm8 =	vlt.s32 v9, $0xC37F;
	v8 =	vnsel vm7, $0xC37F, v8;
	v3 =	vld.idx.msk [tilespmem:v3+s28+$0x0], $0xffff  }
0xb7: {  	vm9 =	vlt.s32 v10, $0xC37F;
	v9 =	vnsel vm8, $0xC37F, v9;
	v4 =	vld.idx.msk [tilespmem:v4+s28+$0x0], $0xffff  }
0xb8: {  	vm10 =	vlt.s32 v11, $0xC37F;
	v10 =	vnsel vm9, $0xC37F, v10;
	v5 =	vld.idx.msk [tilespmem:v5+s28+$0x0], $0xffff  }
0xb9: {  	vm11 =	vlt.s32 v12, $0xC37F;
	v11 =	vnsel vm10, $0xC37F, v11;
	v6 =	vld.idx.msk [tilespmem:v6+s28+$0x0], $0xffff  }
0xba: {  	vm1 =	vlt.s32 v13, $0xC37F;
	v12 =	vnsel vm11, $0xC37F, v12;
	v7 =	vld.idx.msk [tilespmem:v7+s28+$0x0], $0xffff  }
0xbb: {  	vm12 =	vlt.s32 v17, $0xC37F;
	v13 =	vnsel vm1, $0xC37F, v13;
	v8 =	vld.idx.msk [tilespmem:v8+s28+$0x0], $0xffff;
	[tilespmem:s10+$0x70] =	vst v2  }
0xbc: {  	vm13 =	vlt.s32 v14, $0xC37F;
	v9 =	vld.idx.msk [tilespmem:v9+s28+$0x0], $0xffff;
	v2 =	vnsel vm12, $0xC37F, v17;
	[tilespmem:s10+$0xFFFFFE10] =	vst v3  }
0xbd: {  	v14 =	vnsel vm13, $0xC37F, v14;
	vm14 =	vlt.s32 v15, $0xC37F;
	v10 =	vld.idx.msk [tilespmem:v10+s28+$0x0], $0xffff;
	[tilespmem:s10+$0xFFFFFE20] =	vst v4  }
0xbe: {  	vm15 =	vlt.s32 v16, $0xC37F;
	v15 =	vnsel vm14, $0xC37F, v15;
	v11 =	vld.idx.msk [tilespmem:v11+s28+$0x0], $0xffff;
	[tilespmem:s10+$0xFFFFFE30] =	vst v5  }
0xbf: {  	v16 =	vnsel vm15, $0xC37F, v16;
	[tilespmem:s10+$0xFFFFFE40] =	vst v6;
	v3 =	vld.idx.msk [tilespmem:v12+s28+$0x0], $0xffff  }
0xc0: {  	[tilespmem:s10+$0xFFFFFE50] =	vst v7;
	v4 =	vld.idx.msk [tilespmem:v13+s28+$0x0], $0xffff  }
0xc1: {  	[tilespmem:s10+$0xFFFFFE60] =	vst v8;
	v2 =	vld.idx.msk [tilespmem:v2+s28+$0x0], $0xffff  }
0xc2: {  	[tilespmem:s10+$0xFFFFFE70] =	vst v9;
	v5 =	vld.idx.msk [tilespmem:v14+s28+$0x0], $0xffff  }
0xc3: {  	s21 =	simm.s32 $0x1DE80;
	[tilespmem:s10+$0x0] =	vst v10;
	v6 =	vld.idx.msk [tilespmem:v15+s28+$0x0], $0xffff  }
0xc4: {  	s24 =	simm.s32 $0x1C570;
	s0 =	simm.s32 $0x1CC70;
	s9 =	simm.s32 $0x0;
	[tilespmem:s10+$0x10] =	vst v11;
	v7 =	vld.idx.msk [tilespmem:v16+s28+$0x0], $0xffff  }
.LBB2_9:
0xc5: {  	v8 =	vld [tilespmem:s24+$0x0];
	s9 =	sadd.s32 $0x10, s9;
	[tilespmem:s10+$0x20] =	vst v3  }
0xc6: {  	v3 =	vld [tilespmem:s24+$0xFFFFFF20];
	p2 =	slt.u32 s9, $0x70;
	[tilespmem:s10+$0xFFFFFE00] =	vst v2  }
0xc7: {  	v2 =	vld [tilespmem:s24+$0xFFFFFF30];
	[tilespmem:s10+$0x30] =	vst v4  }
0xc8: {  	v4 =	vld [tilespmem:s24+$0xFFFFFF40];
	[tilespmem:s10+$0x40] =	vst v5  }
0xc9: {  	v5 =	vld [tilespmem:s24+$0xFFFFFF50];
	[tilespmem:s10+$0x50] =	vst v6  }
0xca: {  	v6 =	vld [tilespmem:s24+$0xFFFFFF60];
	vm0 =	vlt.s32 v8, $0xC37F;
	[tilespmem:s10+$0x60] =	vst v7  }
0xcb: {  	vm1 =	vlt.s32 v3, $0xC37F;
	v7 =	vld [tilespmem:s24+$0xFFFFFF70];
	v8 =	vnsel vm0, $0xC37F, v8  }
0xcc: {  	v3 =	vnsel vm1, $0xC37F, v3;
	vm0 =	vlt.s32 v2, $0xC37F;
	v9 =	vld [tilespmem:s24+$0xFFFFFF80]  }
0xcd: {  	v2 =	vnsel vm0, $0xC37F, v2;
	vm0 =	vlt.s32 v4, $0xC37F;
	v10 =	vld [tilespmem:s24+$0xFFFFFF90]  }
0xce: {  	v4 =	vnsel vm0, $0xC37F, v4;
	vm0 =	vlt.s32 v5, $0xC37F;
	v11 =	vld [tilespmem:s24+$0xFFFFFFA0]  }
0xcf: {  	v5 =	vnsel vm0, $0xC37F, v5;
	vm0 =	vlt.s32 v6, $0xC37F;
	v12 =	vld [tilespmem:s24+$0xFFFFFFB0]  }
0xd0: {  	v6 =	vnsel vm0, $0xC37F, v6;
	vm0 =	vlt.s32 v7, $0xC37F;
	v8 =	vld.idx.msk [tilespmem:v8+s28+$0x0], $0xffff  }
0xd1: {  	v7 =	vnsel vm0, $0xC37F, v7;
	vm0 =	vlt.s32 v9, $0xC37F;
	v13 =	vld [tilespmem:s24+$0xFFFFFFC0]  }
0xd2: {  	v9 =	vnsel vm0, $0xC37F, v9;
	vm0 =	vlt.s32 v10, $0xC37F;
	v14 =	vld [tilespmem:s24+$0xFFFFFFD0]  }
0xd3: {  	v10 =	vnsel vm0, $0xC37F, v10;
	vm0 =	vlt.s32 v11, $0xC37F;
	v15 =	vld [tilespmem:s24+$0xFFFFFFE0]  }
0xd4: {  	v11 =	vnsel vm0, $0xC37F, v11;
	vm0 =	vlt.s32 v12, $0xC37F;
	v16 =	vld [tilespmem:s24+$0xFFFFFFF0]  }
0xd5: {  	s10 =	sadd.s32 $0x400, s10;
	v17 =	vld [tilespmem:s24+$0xFFFFFF10];
	v12 =	vnsel vm0, $0xC37F, v12  }
0xd6: {  	v3 =	vld.idx.msk [tilespmem:v3+s28+$0x0], $0xffff;
	vm0 =	vlt.s32 v13, $0xC37F;
	[tilespmem:s10+$0x70] =	vst v8  }
0xd7: {  	v2 =	vld.idx.msk [tilespmem:v2+s28+$0x0], $0xffff;
	v8 =	vnsel vm0, $0xC37F, v13;
	vm0 =	vlt.s32 v14, $0xC37F  }
0xd8: {  	v4 =	vld.idx.msk [tilespmem:v4+s28+$0x0], $0xffff;
	v13 =	vnsel vm0, $0xC37F, v14;
	vm0 =	vlt.s32 v15, $0xC37F  }
0xd9: {  	v5 =	vld.idx.msk [tilespmem:v5+s28+$0x0], $0xffff;
	v14 =	vnsel vm0, $0xC37F, v15;
	vm0 =	vlt.s32 v16, $0xC37F  }
0xda: {  	vm1 =	vlt.s32 v17, $0xC37F;
	v6 =	vld.idx.msk [tilespmem:v6+s28+$0x0], $0xffff;
	v15 =	vnsel vm0, $0xC37F, v16  }
0xdb: {  	v16 =	vnsel vm1, $0xC37F, v17;
	v7 =	vld.idx.msk [tilespmem:v7+s28+$0x0], $0xffff  }
0xdc: {  	[tilespmem:s10+$0xFFFFFE10] =	vst v3;
	v9 =	vld.idx.msk [tilespmem:v9+s28+$0x0], $0xffff  }
0xdd: {  	[tilespmem:s10+$0xFFFFFE20] =	vst v2;
	v10 =	vld.idx.msk [tilespmem:v10+s28+$0x0], $0xffff  }
0xde: {  	[tilespmem:s10+$0xFFFFFE30] =	vst v4;
	v11 =	vld.idx.msk [tilespmem:v11+s28+$0x0], $0xffff  }
0xdf: {  	[tilespmem:s10+$0xFFFFFE40] =	vst v5;
	v3 =	vld.idx.msk [tilespmem:v12+s28+$0x0], $0xffff  }
.Ltmp4:
0xe0: {  	v2 =	vld.idx.msk [tilespmem:v16+s28+$0x0], $0xffff;
	[tilespmem:s10+$0xFFFFFE50] =	vst v6;
	(pc) =	sbr.rel @p2 .LBB2_9-.Ltmp4, $4  }
0xe1: {  	[tilespmem:s10+$0xFFFFFE60] =	vst v7;
	v4 =	vld.idx.msk [tilespmem:v8+s28+$0x0], $0xffff  }
0xe2: {  	[tilespmem:s10+$0xFFFFFE70] =	vst v9;
	v5 =	vld.idx.msk [tilespmem:v13+s28+$0x0], $0xffff  }
0xe3: {  	[tilespmem:s10+$0x0] =	vst v10;
	v6 =	vld.idx.msk [tilespmem:v14+s28+$0x0], $0xffff  }
0xe4: {  	s24 =	sadd.s32 $0x100, s24;
	[tilespmem:s10+$0x10] =	vst v11;
	v7 =	vld.idx.msk [tilespmem:v15+s28+$0x0], $0xffff  }
0xe5: {  	[tilespmem:s10+$0x20] =	vst v3  }
0xe6: {  	[tilespmem:s10+$0xFFFFFE00] =	vst v2  }
0xe7: {  	[tilespmem:s10+$0x30] =	vst v4  }
0xe8: {  	[tilespmem:s10+$0x40] =	vst v5  }
0xe9: {  	[tilespmem:s10+$0x50] =	vst v6  }
0xea: {  	[tilespmem:s10+$0x60] =	vst v7  }
0xeb: {  	v2 =	vld [tilespmem:s0+$0x0]  }
0xec: {  	v3 =	vld [tilespmem:s0+$0xFFFFFF20]  }
0xed: {  	v4 =	vld [tilespmem:s0+$0xFFFFFF30]  }
0xee: {  	v5 =	vld [tilespmem:s0+$0xFFFFFF40]  }
0xef: {  	v6 =	vld [tilespmem:s0+$0xFFFFFF50]  }
0xf0: {  	v7 =	vld [tilespmem:s0+$0xFFFFFF60]  }
0xf1: {  	v8 =	vld [tilespmem:s0+$0xFFFFFF70]  }
0xf2: {  	v9 =	vld [tilespmem:s0+$0xFFFFFF80]  }
0xf3: {  	v10 =	vld [tilespmem:s0+$0xFFFFFF90]  }
0xf4: {  	v11 =	vld [tilespmem:s0+$0xFFFFFFA0]  }
0xf5: {  	v12 =	vld [tilespmem:s0+$0xFFFFFFB0];
	vm0 =	vlt.s32 v2, $0xC37F  }
0xf6: {  	v13 =	vld [tilespmem:s0+$0xFFFFFFC0];
	vm14 =	vlt.s32 v3, $0xC37F;
	v2 =	vnsel vm0, $0xC37F, v2  }
0xf7: {  	v14 =	vld [tilespmem:s0+$0xFFFFFFD0];
	vm15 =	vlt.s32 v4, $0xC37F;
	v3 =	vnsel vm14, $0xC37F, v3  }
0xf8: {  	v15 =	vld [tilespmem:s0+$0xFFFFFFE0];
	vm4 =	vlt.s32 v5, $0xC37F;
	v4 =	vnsel vm15, $0xC37F, v4  }
0xf9: {  	v16 =	vld [tilespmem:s0+$0xFFFFFFF0];
	vm5 =	vlt.s32 v6, $0xC37F;
	v5 =	vnsel vm4, $0xC37F, v5  }
0xfa: {  	v17 =	vld [tilespmem:s0+$0xFFFFFF10];
	vm6 =	vlt.s32 v7, $0xC37F;
	v6 =	vnsel vm5, $0xC37F, v6  }
0xfb: {  	vm7 =	vlt.s32 v8, $0xC37F;
	v7 =	vnsel vm6, $0xC37F, v7;
	v2 =	vld.idx.msk [tilespmem:v2+s28+$0x0], $0xffff  }
0xfc: {  	vm8 =	vlt.s32 v9, $0xC37F;
	v8 =	vnsel vm7, $0xC37F, v8;
	v3 =	vld.idx.msk [tilespmem:v3+s28+$0x0], $0xffff  }
0xfd: {  	vm9 =	vlt.s32 v10, $0xC37F;
	v9 =	vnsel vm8, $0xC37F, v9;
	v4 =	vld.idx.msk [tilespmem:v4+s28+$0x0], $0xffff  }
0xfe: {  	vm10 =	vlt.s32 v11, $0xC37F;
	v10 =	vnsel vm9, $0xC37F, v10;
	v5 =	vld.idx.msk [tilespmem:v5+s28+$0x0], $0xffff  }
0xff: {  	vm11 =	vlt.s32 v12, $0xC37F;
	v11 =	vnsel vm10, $0xC37F, v11;
	v6 =	vld.idx.msk [tilespmem:v6+s28+$0x0], $0xffff  }
0x100: {  	vm1 =	vlt.s32 v13, $0xC37F;
	v12 =	vnsel vm11, $0xC37F, v12;
	v7 =	vld.idx.msk [tilespmem:v7+s28+$0x0], $0xffff  }
0x101: {  	vm12 =	vlt.s32 v17, $0xC37F;
	v13 =	vnsel vm1, $0xC37F, v13;
	v8 =	vld.idx.msk [tilespmem:v8+s28+$0x0], $0xffff;
	[tilespmem:s21+$0x70] =	vst v2  }
0x102: {  	vm13 =	vlt.s32 v14, $0xC37F;
	v9 =	vld.idx.msk [tilespmem:v9+s28+$0x0], $0xffff;
	v2 =	vnsel vm12, $0xC37F, v17;
	[tilespmem:s21+$0xFFFFFE10] =	vst v3  }
0x103: {  	v14 =	vnsel vm13, $0xC37F, v14;
	vm14 =	vlt.s32 v15, $0xC37F;
	v10 =	vld.idx.msk [tilespmem:v10+s28+$0x0], $0xffff;
	[tilespmem:s21+$0xFFFFFE20] =	vst v4  }
0x104: {  	vm15 =	vlt.s32 v16, $0xC37F;
	v15 =	vnsel vm14, $0xC37F, v15;
	v11 =	vld.idx.msk [tilespmem:v11+s28+$0x0], $0xffff;
	[tilespmem:s21+$0xFFFFFE30] =	vst v5  }
0x105: {  	v16 =	vnsel vm15, $0xC37F, v16;
	[tilespmem:s21+$0xFFFFFE40] =	vst v6;
	v3 =	vld.idx.msk [tilespmem:v12+s28+$0x0], $0xffff  }
0x106: {  	[tilespmem:s21+$0xFFFFFE50] =	vst v7;
	v4 =	vld.idx.msk [tilespmem:v13+s28+$0x0], $0xffff  }
0x107: {  	[tilespmem:s21+$0xFFFFFE60] =	vst v8;
	v2 =	vld.idx.msk [tilespmem:v2+s28+$0x0], $0xffff  }
0x108: {  	[tilespmem:s21+$0xFFFFFE70] =	vst v9;
	v5 =	vld.idx.msk [tilespmem:v14+s28+$0x0], $0xffff  }
0x109: {  	s9 =	simm.s32 $0x0;
	[tilespmem:s21+$0x0] =	vst v10;
	v6 =	vld.idx.msk [tilespmem:v15+s28+$0x0], $0xffff  }
0x10a: {  	s24 =	simm.s32 $0x1CD70;
	s10 =	simm.s32 $0x1DF00;
	s0 =	simm.s32 $0x1D470;
	[tilespmem:s21+$0x10] =	vst v11;
	v7 =	vld.idx.msk [tilespmem:v16+s28+$0x0], $0xffff  }
.LBB2_11:
0x10b: {  	v8 =	vld [tilespmem:s24+$0x0];
	s9 =	sadd.s32 $0x10, s9;
	[tilespmem:s21+$0x20] =	vst v3  }
0x10c: {  	v3 =	vld [tilespmem:s24+$0xFFFFFF20];
	p2 =	slt.u32 s9, $0x70;
	[tilespmem:s21+$0xFFFFFE00] =	vst v2  }
0x10d: {  	v2 =	vld [tilespmem:s24+$0xFFFFFF30];
	[tilespmem:s21+$0x30] =	vst v4  }
0x10e: {  	v4 =	vld [tilespmem:s24+$0xFFFFFF40];
	[tilespmem:s21+$0x40] =	vst v5  }
0x10f: {  	v5 =	vld [tilespmem:s24+$0xFFFFFF50];
	[tilespmem:s21+$0x50] =	vst v6  }
0x110: {  	v6 =	vld [tilespmem:s24+$0xFFFFFF60];
	vm0 =	vlt.s32 v8, $0xC37F;
	[tilespmem:s21+$0x60] =	vst v7  }
0x111: {  	vm1 =	vlt.s32 v3, $0xC37F;
	v7 =	vld [tilespmem:s24+$0xFFFFFF70];
	v8 =	vnsel vm0, $0xC37F, v8  }
0x112: {  	v3 =	vnsel vm1, $0xC37F, v3;
	vm0 =	vlt.s32 v2, $0xC37F;
	v9 =	vld [tilespmem:s24+$0xFFFFFF80]  }
0x113: {  	v2 =	vnsel vm0, $0xC37F, v2;
	vm0 =	vlt.s32 v4, $0xC37F;
	v10 =	vld [tilespmem:s24+$0xFFFFFF90]  }
0x114: {  	v4 =	vnsel vm0, $0xC37F, v4;
	vm0 =	vlt.s32 v5, $0xC37F;
	v11 =	vld [tilespmem:s24+$0xFFFFFFA0]  }
0x115: {  	v5 =	vnsel vm0, $0xC37F, v5;
	vm0 =	vlt.s32 v6, $0xC37F;
	v12 =	vld [tilespmem:s24+$0xFFFFFFB0]  }
0x116: {  	v6 =	vnsel vm0, $0xC37F, v6;
	vm0 =	vlt.s32 v7, $0xC37F;
	v8 =	vld.idx.msk [tilespmem:v8+s28+$0x0], $0xffff  }
0x117: {  	v7 =	vnsel vm0, $0xC37F, v7;
	vm0 =	vlt.s32 v9, $0xC37F;
	v13 =	vld [tilespmem:s24+$0xFFFFFFC0]  }
0x118: {  	v9 =	vnsel vm0, $0xC37F, v9;
	vm0 =	vlt.s32 v10, $0xC37F;
	v14 =	vld [tilespmem:s24+$0xFFFFFFD0]  }
0x119: {  	v10 =	vnsel vm0, $0xC37F, v10;
	vm0 =	vlt.s32 v11, $0xC37F;
	v15 =	vld [tilespmem:s24+$0xFFFFFFE0]  }
0x11a: {  	v11 =	vnsel vm0, $0xC37F, v11;
	vm0 =	vlt.s32 v12, $0xC37F;
	v16 =	vld [tilespmem:s24+$0xFFFFFFF0]  }
0x11b: {  	s21 =	sadd.s32 $0x400, s21;
	v17 =	vld [tilespmem:s24+$0xFFFFFF10];
	v12 =	vnsel vm0, $0xC37F, v12  }
0x11c: {  	v3 =	vld.idx.msk [tilespmem:v3+s28+$0x0], $0xffff;
	vm0 =	vlt.s32 v13, $0xC37F;
	[tilespmem:s21+$0x70] =	vst v8  }
0x11d: {  	v2 =	vld.idx.msk [tilespmem:v2+s28+$0x0], $0xffff;
	v8 =	vnsel vm0, $0xC37F, v13;
	vm0 =	vlt.s32 v14, $0xC37F  }
0x11e: {  	v4 =	vld.idx.msk [tilespmem:v4+s28+$0x0], $0xffff;
	v13 =	vnsel vm0, $0xC37F, v14;
	vm0 =	vlt.s32 v15, $0xC37F  }
0x11f: {  	v5 =	vld.idx.msk [tilespmem:v5+s28+$0x0], $0xffff;
	v14 =	vnsel vm0, $0xC37F, v15;
	vm0 =	vlt.s32 v16, $0xC37F  }
0x120: {  	vm1 =	vlt.s32 v17, $0xC37F;
	v6 =	vld.idx.msk [tilespmem:v6+s28+$0x0], $0xffff;
	v15 =	vnsel vm0, $0xC37F, v16  }
0x121: {  	v16 =	vnsel vm1, $0xC37F, v17;
	v7 =	vld.idx.msk [tilespmem:v7+s28+$0x0], $0xffff  }
0x122: {  	[tilespmem:s21+$0xFFFFFE10] =	vst v3;
	v9 =	vld.idx.msk [tilespmem:v9+s28+$0x0], $0xffff  }
0x123: {  	[tilespmem:s21+$0xFFFFFE20] =	vst v2;
	v10 =	vld.idx.msk [tilespmem:v10+s28+$0x0], $0xffff  }
0x124: {  	[tilespmem:s21+$0xFFFFFE30] =	vst v4;
	v11 =	vld.idx.msk [tilespmem:v11+s28+$0x0], $0xffff  }
0x125: {  	[tilespmem:s21+$0xFFFFFE40] =	vst v5;
	v3 =	vld.idx.msk [tilespmem:v12+s28+$0x0], $0xffff  }
.Ltmp5:
0x126: {  	v2 =	vld.idx.msk [tilespmem:v16+s28+$0x0], $0xffff;
	[tilespmem:s21+$0xFFFFFE50] =	vst v6;
	(pc) =	sbr.rel @p2 .LBB2_11-.Ltmp5, $4  }
0x127: {  	[tilespmem:s21+$0xFFFFFE60] =	vst v7;
	v4 =	vld.idx.msk [tilespmem:v8+s28+$0x0], $0xffff  }
0x128: {  	[tilespmem:s21+$0xFFFFFE70] =	vst v9;
	v5 =	vld.idx.msk [tilespmem:v13+s28+$0x0], $0xffff  }
0x129: {  	[tilespmem:s21+$0x0] =	vst v10;
	v6 =	vld.idx.msk [tilespmem:v14+s28+$0x0], $0xffff  }
0x12a: {  	s24 =	sadd.s32 $0x100, s24;
	[tilespmem:s21+$0x10] =	vst v11;
	v7 =	vld.idx.msk [tilespmem:v15+s28+$0x0], $0xffff  }
0x12b: {  	[tilespmem:s21+$0x20] =	vst v3  }
0x12c: {  	[tilespmem:s21+$0xFFFFFE00] =	vst v2  }
0x12d: {  	[tilespmem:s21+$0x30] =	vst v4  }
0x12e: {  	[tilespmem:s21+$0x40] =	vst v5  }
0x12f: {  	[tilespmem:s21+$0x50] =	vst v6  }
0x130: {  	[tilespmem:s21+$0x60] =	vst v7  }
0x131: {  	v2 =	vld [tilespmem:s0+$0x0]  }
0x132: {  	v3 =	vld [tilespmem:s0+$0xFFFFFF20]  }
0x133: {  	v4 =	vld [tilespmem:s0+$0xFFFFFF30]  }
0x134: {  	v5 =	vld [tilespmem:s0+$0xFFFFFF40]  }
0x135: {  	v6 =	vld [tilespmem:s0+$0xFFFFFF50]  }
0x136: {  	v7 =	vld [tilespmem:s0+$0xFFFFFF60]  }
0x137: {  	v8 =	vld [tilespmem:s0+$0xFFFFFF70]  }
0x138: {  	v9 =	vld [tilespmem:s0+$0xFFFFFF80]  }
0x139: {  	v10 =	vld [tilespmem:s0+$0xFFFFFF90]  }
0x13a: {  	v11 =	vld [tilespmem:s0+$0xFFFFFFA0]  }
0x13b: {  	v12 =	vld [tilespmem:s0+$0xFFFFFFB0];
	vm0 =	vlt.s32 v2, $0xC37F  }
0x13c: {  	v13 =	vld [tilespmem:s0+$0xFFFFFFC0];
	vm14 =	vlt.s32 v3, $0xC37F;
	v2 =	vnsel vm0, $0xC37F, v2  }
0x13d: {  	v14 =	vld [tilespmem:s0+$0xFFFFFFD0];
	vm15 =	vlt.s32 v4, $0xC37F;
	v3 =	vnsel vm14, $0xC37F, v3  }
0x13e: {  	v15 =	vld [tilespmem:s0+$0xFFFFFFE0];
	vm4 =	vlt.s32 v5, $0xC37F;
	v4 =	vnsel vm15, $0xC37F, v4  }
0x13f: {  	v16 =	vld [tilespmem:s0+$0xFFFFFFF0];
	vm5 =	vlt.s32 v6, $0xC37F;
	v5 =	vnsel vm4, $0xC37F, v5  }
0x140: {  	v17 =	vld [tilespmem:s0+$0xFFFFFF10];
	vm6 =	vlt.s32 v7, $0xC37F;
	v6 =	vnsel vm5, $0xC37F, v6  }
0x141: {  	vm7 =	vlt.s32 v8, $0xC37F;
	v7 =	vnsel vm6, $0xC37F, v7;
	v2 =	vld.idx.msk [tilespmem:v2+s28+$0x0], $0xffff  }
0x142: {  	vm8 =	vlt.s32 v9, $0xC37F;
	v8 =	vnsel vm7, $0xC37F, v8;
	v3 =	vld.idx.msk [tilespmem:v3+s28+$0x0], $0xffff  }
0x143: {  	vm9 =	vlt.s32 v10, $0xC37F;
	v9 =	vnsel vm8, $0xC37F, v9;
	v4 =	vld.idx.msk [tilespmem:v4+s28+$0x0], $0xffff  }
0x144: {  	vm10 =	vlt.s32 v11, $0xC37F;
	v10 =	vnsel vm9, $0xC37F, v10;
	v5 =	vld.idx.msk [tilespmem:v5+s28+$0x0], $0xffff  }
0x145: {  	vm11 =	vlt.s32 v12, $0xC37F;
	v11 =	vnsel vm10, $0xC37F, v11;
	v6 =	vld.idx.msk [tilespmem:v6+s28+$0x0], $0xffff  }
0x146: {  	vm1 =	vlt.s32 v13, $0xC37F;
	v12 =	vnsel vm11, $0xC37F, v12;
	v7 =	vld.idx.msk [tilespmem:v7+s28+$0x0], $0xffff  }
0x147: {  	vm12 =	vlt.s32 v17, $0xC37F;
	v13 =	vnsel vm1, $0xC37F, v13;
	v8 =	vld.idx.msk [tilespmem:v8+s28+$0x0], $0xffff;
	[tilespmem:s10+$0x70] =	vst v2  }
0x148: {  	vm13 =	vlt.s32 v14, $0xC37F;
	v9 =	vld.idx.msk [tilespmem:v9+s28+$0x0], $0xffff;
	v2 =	vnsel vm12, $0xC37F, v17;
	[tilespmem:s10+$0xFFFFFE10] =	vst v3  }
0x149: {  	v14 =	vnsel vm13, $0xC37F, v14;
	vm14 =	vlt.s32 v15, $0xC37F;
	v10 =	vld.idx.msk [tilespmem:v10+s28+$0x0], $0xffff;
	[tilespmem:s10+$0xFFFFFE20] =	vst v4  }
0x14a: {  	vm15 =	vlt.s32 v16, $0xC37F;
	v15 =	vnsel vm14, $0xC37F, v15;
	v11 =	vld.idx.msk [tilespmem:v11+s28+$0x0], $0xffff;
	[tilespmem:s10+$0xFFFFFE30] =	vst v5  }
0x14b: {  	v16 =	vnsel vm15, $0xC37F, v16;
	[tilespmem:s10+$0xFFFFFE40] =	vst v6;
	v3 =	vld.idx.msk [tilespmem:v12+s28+$0x0], $0xffff  }
0x14c: {  	[tilespmem:s10+$0xFFFFFE50] =	vst v7;
	v4 =	vld.idx.msk [tilespmem:v13+s28+$0x0], $0xffff  }
0x14d: {  	[tilespmem:s10+$0xFFFFFE60] =	vst v8;
	v2 =	vld.idx.msk [tilespmem:v2+s28+$0x0], $0xffff  }
0x14e: {  	[tilespmem:s10+$0xFFFFFE70] =	vst v9;
	v5 =	vld.idx.msk [tilespmem:v14+s28+$0x0], $0xffff  }
0x14f: {  	[tilespmem:s10+$0x0] =	vst v10;
	v6 =	vld.idx.msk [tilespmem:v15+s28+$0x0], $0xffff  }
0x150: {  	s9 =	simm.s32 $0x1D570;
	s0 =	simm.s32 $0x0;
	[tilespmem:s10+$0x10] =	vst v11;
	v7 =	vld.idx.msk [tilespmem:v16+s28+$0x0], $0xffff  }
.LBB2_13:
0x151: {  	v8 =	vld [tilespmem:s9+$0x0];
	s0 =	sadd.s32 $0x10, s0;
	[tilespmem:s10+$0x20] =	vst v3  }
0x152: {  	v3 =	vld [tilespmem:s9+$0xFFFFFF20];
	p2 =	slt.u32 s0, $0x70;
	[tilespmem:s10+$0xFFFFFE00] =	vst v2  }
0x153: {  	v2 =	vld [tilespmem:s9+$0xFFFFFF30];
	[tilespmem:s10+$0x30] =	vst v4  }
0x154: {  	v4 =	vld [tilespmem:s9+$0xFFFFFF40];
	[tilespmem:s10+$0x40] =	vst v5  }
0x155: {  	v5 =	vld [tilespmem:s9+$0xFFFFFF50];
	[tilespmem:s10+$0x50] =	vst v6  }
0x156: {  	v6 =	vld [tilespmem:s9+$0xFFFFFF60];
	vm0 =	vlt.s32 v8, $0xC37F;
	[tilespmem:s10+$0x60] =	vst v7  }
0x157: {  	vm1 =	vlt.s32 v3, $0xC37F;
	v7 =	vld [tilespmem:s9+$0xFFFFFF70];
	v8 =	vnsel vm0, $0xC37F, v8  }
0x158: {  	v3 =	vnsel vm1, $0xC37F, v3;
	vm0 =	vlt.s32 v2, $0xC37F;
	v9 =	vld [tilespmem:s9+$0xFFFFFF80]  }
0x159: {  	v2 =	vnsel vm0, $0xC37F, v2;
	vm0 =	vlt.s32 v4, $0xC37F;
	v10 =	vld [tilespmem:s9+$0xFFFFFF90]  }
0x15a: {  	v4 =	vnsel vm0, $0xC37F, v4;
	vm0 =	vlt.s32 v5, $0xC37F;
	v11 =	vld [tilespmem:s9+$0xFFFFFFA0]  }
0x15b: {  	v5 =	vnsel vm0, $0xC37F, v5;
	vm0 =	vlt.s32 v6, $0xC37F;
	v12 =	vld [tilespmem:s9+$0xFFFFFFB0]  }
0x15c: {  	v6 =	vnsel vm0, $0xC37F, v6;
	vm0 =	vlt.s32 v7, $0xC37F;
	v8 =	vld.idx.msk [tilespmem:v8+s28+$0x0], $0xffff  }
0x15d: {  	v7 =	vnsel vm0, $0xC37F, v7;
	vm0 =	vlt.s32 v9, $0xC37F;
	v13 =	vld [tilespmem:s9+$0xFFFFFFC0]  }
0x15e: {  	v9 =	vnsel vm0, $0xC37F, v9;
	vm0 =	vlt.s32 v10, $0xC37F;
	v14 =	vld [tilespmem:s9+$0xFFFFFFD0]  }
0x15f: {  	v10 =	vnsel vm0, $0xC37F, v10;
	vm0 =	vlt.s32 v11, $0xC37F;
	v15 =	vld [tilespmem:s9+$0xFFFFFFE0]  }
0x160: {  	v11 =	vnsel vm0, $0xC37F, v11;
	vm0 =	vlt.s32 v12, $0xC37F;
	v16 =	vld [tilespmem:s9+$0xFFFFFFF0]  }
0x161: {  	s10 =	sadd.s32 $0x400, s10;
	v17 =	vld [tilespmem:s9+$0xFFFFFF10];
	v12 =	vnsel vm0, $0xC37F, v12  }
0x162: {  	v3 =	vld.idx.msk [tilespmem:v3+s28+$0x0], $0xffff;
	vm0 =	vlt.s32 v13, $0xC37F;
	[tilespmem:s10+$0x70] =	vst v8  }
0x163: {  	v2 =	vld.idx.msk [tilespmem:v2+s28+$0x0], $0xffff;
	v8 =	vnsel vm0, $0xC37F, v13;
	vm0 =	vlt.s32 v14, $0xC37F  }
0x164: {  	v4 =	vld.idx.msk [tilespmem:v4+s28+$0x0], $0xffff;
	v13 =	vnsel vm0, $0xC37F, v14;
	vm0 =	vlt.s32 v15, $0xC37F  }
0x165: {  	v5 =	vld.idx.msk [tilespmem:v5+s28+$0x0], $0xffff;
	v14 =	vnsel vm0, $0xC37F, v15;
	vm0 =	vlt.s32 v16, $0xC37F  }
0x166: {  	vm1 =	vlt.s32 v17, $0xC37F;
	v6 =	vld.idx.msk [tilespmem:v6+s28+$0x0], $0xffff;
	v15 =	vnsel vm0, $0xC37F, v16  }
0x167: {  	v16 =	vnsel vm1, $0xC37F, v17;
	v7 =	vld.idx.msk [tilespmem:v7+s28+$0x0], $0xffff  }
0x168: {  	[tilespmem:s10+$0xFFFFFE10] =	vst v3;
	v9 =	vld.idx.msk [tilespmem:v9+s28+$0x0], $0xffff  }
0x169: {  	[tilespmem:s10+$0xFFFFFE20] =	vst v2;
	v10 =	vld.idx.msk [tilespmem:v10+s28+$0x0], $0xffff  }
0x16a: {  	[tilespmem:s10+$0xFFFFFE30] =	vst v4;
	v11 =	vld.idx.msk [tilespmem:v11+s28+$0x0], $0xffff  }
0x16b: {  	[tilespmem:s10+$0xFFFFFE40] =	vst v5;
	v3 =	vld.idx.msk [tilespmem:v12+s28+$0x0], $0xffff  }
.Ltmp6:
0x16c: {  	v2 =	vld.idx.msk [tilespmem:v16+s28+$0x0], $0xffff;
	[tilespmem:s10+$0xFFFFFE50] =	vst v6;
	(pc) =	sbr.rel @p2 .LBB2_13-.Ltmp6, $4  }
0x16d: {  	[tilespmem:s10+$0xFFFFFE60] =	vst v7;
	v4 =	vld.idx.msk [tilespmem:v8+s28+$0x0], $0xffff  }
0x16e: {  	[tilespmem:s10+$0xFFFFFE70] =	vst v9;
	v5 =	vld.idx.msk [tilespmem:v13+s28+$0x0], $0xffff  }
0x16f: {  	[tilespmem:s10+$0x0] =	vst v10;
	v6 =	vld.idx.msk [tilespmem:v14+s28+$0x0], $0xffff  }
0x170: {  	s9 =	sadd.s32 $0x100, s9;
	[tilespmem:s10+$0x10] =	vst v11;
	v7 =	vld.idx.msk [tilespmem:v15+s28+$0x0], $0xffff  }
0x171: {  	[tilespmem:s10+$0x20] =	vst v3  }
0x172: {  	[tilespmem:s10+$0xFFFFFE00] =	vst v2  }
0x173: {  	[tilespmem:s10+$0x30] =	vst v4  }
0x174: {  	[tilespmem:s10+$0x40] =	vst v5  }
0x175: {  	[tilespmem:s10+$0x50] =	vst v6  }
0x176: {  	s0 =	simm.s32 @p1 $0x1;
	[tilespmem:s10+$0x60] =	vst v7  }
0x177: {  	_ =	swait.ge @p1 [sflag:s0], $0x6200  }
0x178: {  	p3 =	seq.s32 @p1 s19, $0x67;
	[sflag:s0] =	ssyncset.done @p1 $0x0  }
0x179: {  	p2 =	por p3, !p1;
	[sflag:s0] =	ssyncadd.s32 @p1 $0xFFFF9E00  }
0x17a: {  	s2 =	sadd.s32 @!p2 $0x8, s20;
	_ =	swait.ge @p1 [sflag:s0], $0x6180  }
0x17b: {  	s2 =	sshrl.u32 @!p2 s2, $0x3;
	[sflag:s0] =	ssyncset.done @p1 $0x0  }
0x17c: {  	s2 =	smul.u32 @!p2 $0xC3800, s2;
	[sflag:s0] =	ssyncadd.s32 @p1 $0xFFFF9E80  }
0x17d: {  	[bflag:$0x0] =	sbarrier.arrive @p1 $0xFFFF  }
0x17e: {  	s0 =	sshrl.u32 @!p2 s2, $0x3;
	s2 =	rddreg [dreg:$0x3]  }
0x17f: {  	s4 =	simm.s32 @!p2 $0x1C01;
	s0 =	sadd.s32 @!p2 s1, s0;
	s2 =	sshrl.u32 @!p2 s2, $0x3  }
0x180: {  	[spmem:s2], [sflag:s4] =	dma.local @!p2 [hbm:s0], $0x6200  }
0x181: {  	s2 =	rddreg [dreg:$0x4]  }
0x182: {  	s0 =	sadd.s32 @!p2 $0x6200, s0;
	s2 =	sshrl.u32 @!p2 s2, $0x3  }
0x183: {  	[spmem:s2], [sflag:s4] =	dma.local @!p2 [hbm:s0], $0x6180  }
0x184: {  	[bflag:$0x0] =	sbarrier.arrive @!p1 $0xFFFF  }
0x185: {  	[tilespmem:s28], [sflag:$0x3] =	stream.strided.gather [spmem:s16], $0x6200, s26, s25, $0x38;
	[tilespmem:$0x1FB80] =	vst v63  }
0x186: {  	_ = 	snop  }
0x187: {  	[tilespmem:s29], [sflag:$0x4] =	stream.strided.gather [spmem:s17], $0x6180, s26, s25, $0x38;
	[tilespmem:$0x1FB80] =	vst v63  }
0x188: {  	_ =	swait.ge [sflag:s30], $0x6200  }
0x189: {  	[sflag:s30] =	ssyncset.done $0x0  }
0x18a: {  	[sflag:s30] =	ssyncadd.s32 $0xFFFF9E00  }
0x18b: {  	_ =	swait.ge [sflag:s31], $0x6180  }
0x18c: {  	[sflag:s31] =	ssyncset.done $0x0  }
0x18d: {  	s12 =	simm.s32 $0x1BC00;
	[sflag:s31] =	ssyncadd.s32 $0xFFFF9E80  }
0x18e: {  	v10 =	vld [tilespmem:s12+$0x70]  }
0x18f: {  	v8 =	vld [tilespmem:s12+$0xFFFFFF80]  }
0x190: {  	v28 =	vld [tilespmem:s12+$0xFFFFFF90]  }
0x191: {  	v27 =	vld [tilespmem:s12+$0xFFFFFFA0]  }
0x192: {  	v30 =	vld [tilespmem:s12+$0xFFFFFFB0]  }
0x193: {  	v23 =	vld [tilespmem:s12+$0xFFFFFFC0]  }
0x194: {  	v24 =	vld [tilespmem:s12+$0xFFFFFFD0]  }
0x195: {  	v35 =	vld [tilespmem:s12+$0xFFFFFFE0]  }
0x196: {  	v3 =	vor.u32 $0x50, v1;
	s7 =	simm.s32 $0xB0;
	v25 =	vld [tilespmem:s12+$0x0]  }
0x197: {  	v2 =	vor.u32 $0x60, v1;
	s24 =	simm.s32 $0xD0;
	s9 =	simm.s32 $0xE0;
	v4 =	vor.u32 $0x40, v1;
	v62 =	vmov s7;
	v41 =	vld [tilespmem:s12+$0x10]  }
0x198: {  	v63 =	vmov s24;
	v36 =	vmov s9;
	v5 =	vor.u32 $0x30, v1;
	v18 =	vld [tilespmem:s12+$0x20]  }
0x199: {  	v38 =	vshrl.u32 v62, $0x7;
	v46 =	vshrl.u32 v36, $0x7;
	v6 =	vor.u32 $0x10, v1;
	v19 =	vld [tilespmem:s12+$0x30]  }
0x19a: {  	v7 =	vor.u32 $0x20, v1;
	v9 =	vadd.s32 $0xFFFF3D00, v10;
	v11 =	vadd.s32 $0xFFFF3D00, v8  }
0x19b: {  	s10 =	simm.s32 $0xF0;
	vm0 =	vgt.s32 v8, $0xC2FF;
	v12 =	vadd.s32 $0xFFFF3D00, v28;
	v14 =	vadd.s32 $0xFFFF3D00, v27  }
0x19c: {  	v8 =	vmov s10;
	v15 =	vadd.s32 $0xFFFF3D00, v30;
	v16 =	vadd.s32 $0xFFFF3D00, v23  }
0x19d: {  	v17 =	vadd.s32 $0xFFFF3D00, v24;
	v26 =	vadd.s32 $0xFFFF3D00, v35;
	v29 =	vadd.s32 $0xFFFF3D00, v25  }
0x19e: {  	v39 =	vld [tilespmem:s12+$0xFFFFFFF0];
	v31 =	vadd.s32 $0xFFFF3D00, v41;
	v32 =	vadd.s32 $0xFFFF3D00, v18;
	v33 =	vadd.s32 $0xFFFF3D00, v19  }
0x19f: {  	vm1 =	vgt.s32 v9, $0x0;
	vm2 =	vgt.s32 v11, $0x0;
	vm3 =	vgt.s32 v12, $0x0  }
0x1a0: {  	vm4 =	vgt.s32 v14, $0x0;
	v8 =	vshrl.u32 v8, $0x7;
	vm5 =	vgt.s32 v15, $0x0  }
0x1a1: {  	vm6 =	vgt.s32 v16, $0x0;
	vm7 =	vgt.s32 v17, $0x0;
	vm8 =	vgt.s32 v26, $0x0  }
0x1a2: {  	v13 =	vnsel vm1, $0x0, v9;
	v9 =	vshll.u32 v8, v0;
	v8 =	vor.u32 $0x70, v1  }
0x1a3: {  	vm1 =	vgt.s32 v10, $0xC2FF;
	v10 =	vadd.s32 $0xFFFF3D00, v39;
	v11 =	vnsel vm2, $0x0, v11  }
0x1a4: {  	v22 =	vld [tilespmem:s12+$0x60];
	vm2 =	vgt.s32 v29, $0x0;
	v12 =	vnsel vm3, $0x0, v12;
	vm3 =	vgt.s32 v31, $0x0  }
0x1a5: {  	v14 =	vnsel vm4, $0x0, v14;
	v15 =	vnsel vm5, $0x0, v15;
	vm4 =	vgt.s32 v32, $0x0  }
0x1a6: {  	v16 =	vnsel vm6, $0x0, v16;
	v17 =	vnsel vm7, $0x0, v17;
	v34 =	vnsel vm8, $0x0, v26  }
0x1a7: {  	v21 =	vld [tilespmem:s12+$0x50];
	vm5 =	vgt.s32 v33, $0x0;
	vm8 =	vgt.s32 v27, $0xC2FF;
	vm7 =	vgt.s32 v24, $0xC2FF  }
0x1a8: {  	v20 =	vbroadcast v9, $0x0;
	vm9 =	vgt.s32 v10, $0x0;
	v40 =	vnsel vm2, $0x0, v29  }
0x1a9: {  	s6 =	simm.s32 $0xA0;
	v29 =	vadd.s32 $0xFFFF3D00, v22;
	v43 =	vnsel vm3, $0x0, v31;
	v44 =	vnsel vm4, $0x0, v32  }
0x1aa: {  	v51 =	vnsel vm5, $0x0, v33;
	v31 =	vmov s6;
	v33 =	vshrl.u32 v63, $0x7  }
0x1ab: {  	vm5 =	vgt.s32 v30, $0xC2FF;
	vm4 =	vgt.s32 v35, $0xC2FF;
	v42 =	vor.u32 v8, v20;
	v20 =	vld [tilespmem:s12+$0x40]  }
0x1ac: {  	v37 =	vnsel vm9, $0x0, v10;
	v10 =	vadd.s32 $0xFFFF3D00, v21;
	vm3 =	vgt.s32 v29, $0x0;
	v56 =	vld.idx.msk [tilespmem:v13+s28+$0x0], $0xffff  }
0x1ad: {  	s21 =	simm.s32 $0x0;
	vm2 =	vgt.s32 v10, $0x0;
	v57 =	vnsel vm3, $0x0, v29;
	vm3 =	vgt.s32 v28, $0xC2FF;
	v58 =	vld.idx.msk [tilespmem:v11+s28+$0x0], $0xffff  }
0x1ae: {  	s13 =	simm.s32 $0x80;
	s22 =	simm.s32 $0x90;
	s23 =	simm.s32 $0xC0;
	v55 =	vnsel vm2, $0x0, v10;
	v10 =	vmov s21;
	vm2 =	vgt.s32 v39, $0xC2FF;
	v59 =	vld.idx.msk [tilespmem:v12+s28+$0x0], $0xffff  }
0x1af: {  	v13 =	vmov s13;
	v11 =	vmov s22;
	v12 =	vmov s23;
	v29 =	vld.idx.msk [tilespmem:v15+s28+$0x0], $0xffff  }
0x1b0: {  	v10 =	vshrl.u32 v10, $0x7;
	v32 =	vld.idx.msk [tilespmem:v17+s28+$0x0], $0xffff;
	v17 =	vshll.u32 v46, v0;
	v13 =	vshrl.u32 v13, $0x7  }
0x1b1: {  	v36 =	vld.idx.msk [tilespmem:v34+s28+$0x0], $0xffff;
	v11 =	vshrl.u32 v11, $0x7;
	v45 =	vshrl.u32 v12, $0x7;
	v10 =	vshll.u32 v10, v0  }
0x1b2: {  	v34 =	vld.idx.msk [tilespmem:v44+s28+$0x0], $0xffff;
	v15 =	vshll.u32 v13, v0;
	v11 =	vshll.u32 v11, v0;
	v13 =	vshll.u32 v45, v0  }
0x1b3: {  	v28 =	vld.idx.msk [tilespmem:v51+s28+$0x0], $0xffff;
	v60 =	vbroadcast v10, $0x0;
	v45 =	vbroadcast v17, $0x0;
	v26 =	vadd.s32 $0xFFFF3D00, v20  }
0x1b4: {  	v61 =	vbroadcast v15, $0x0;
	v50 =	vbroadcast v11, $0x0;
	v44 =	vld.idx.msk [tilespmem:v57+s28+$0x0], $0xffff;
	vm6 =	vgt.s32 v26, $0x0  }
0x1b5: {  	v62 =	vor.u32 v6, v60;
	v52 =	vnsel vm6, $0x0, v26;
	v26 =	vld.idx.msk [tilespmem:v14+s28+$0x0], $0xffff;
	v14 =	vshrl.u32 v31, $0x7  }
0x1b6: {  	v12 =	vshll.u32 v14, v0;
	v14 =	vshll.u32 v33, v0;
	v33 =	vld.idx.msk [tilespmem:v43+s28+$0x0], $0xffff;
	v43 =	vor.u32 v1, v60  }
0x1b7: {  	v53 =	vor.u32 v7, v60;
	v54 =	vor.u32 v5, v60;
	v51 =	vor.u32 v4, v60;
	v31 =	vld.idx.msk [tilespmem:v16+s28+$0x0], $0xffff  }
0x1b8: {  	v27 =	vor.u32 v3, v60;
	v35 =	vor.u32 v8, v60;
	v16 =	vshll.u32 v38, v0;
	v38 =	vld.idx.msk [tilespmem:v37+s28+$0x0], $0xffff  }
0x1b9: {  	p4 =	por @p1 $0x0, $0x0;
	p3 =	por !p3, !p1;
	p2 =	por @!p2 $0x1, $0x1;
	v46 =	vbroadcast v13, $0x0;
	v37 =	vld.idx.msk [tilespmem:v40+s28+$0x0], $0xffff;
	vm6 =	vgt.s32 v23, $0xC2FF;
	[tilespmem:v42+s5+$0x0] =	vst.idx.msk vm1, v56;
	v39 =	vor.u32 v1, v61  }
0x1ba: {  	s24 =	simm.s32 $0xF0;
	p2 =	por @!p3 p4, p4;
	p3 =	por @!p1 $0x0, $0x0;
	v42 =	vld.idx.msk [tilespmem:v55+s28+$0x0], $0xffff;
	vm1 =	vgt.s32 v41, $0xC2FF;
	v48 =	vbroadcast v16, $0x0;
	v49 =	vbroadcast v12, $0x0;
	[tilespmem:v62+s5+$0x0] =	vst.idx.msk vm3, v59  }
0x1bb: {  	s0 =	simm.s32 $0x0;
	p2 =	por @!p1 p3, p3;
	s21 =	simm.s32 $0x1BD00;
	v47 =	vbroadcast v14, $0x0;
	vm3 =	vgt.s32 v25, $0xC2FF;
	v40 =	vld.idx.msk [tilespmem:v52+s28+$0x0], $0xffff;
	v52 =	vor.u32 v2, v60;
	[tilespmem:v43+s5+$0x0] =	vst.idx.msk vm0, v58  }
.LBB2_15:
0x1bc: {  	v55 =	vld [tilespmem:s21+$0x70];
	s0 =	sadd.s32 $0x10, s0;
	v41 =	vor.u32 v6, v50;
	vm11 =	vgt.s32 v18, $0xC2FF;
	v18 =	vor.u32 v7, v49  }
0x1bd: {  	vm10 =	vgt.s32 v19, $0xC2FF;
	v19 =	vor.u32 v5, v48;
	v43 =	vld [tilespmem:s21+$0xFFFFFF80];
	p3 =	slt.u32 s0, $0x70;
	[tilespmem:v53+s5+$0x0] =	vst.idx.msk vm8, v26;
	vm8 =	vgt.s32 v20, $0xC2FF  }
0x1be: {  	vm9 =	vgt.s32 v21, $0xC2FF;
	v21 =	vor.u32 v3, v47;
	v20 =	vor.u32 v4, v46;
	v30 =	vld [tilespmem:s21+$0xFFFFFF90];
	[tilespmem:v54+s5+$0x0] =	vst.idx.msk vm5, v29  }
0x1bf: {  	vm5 =	vgt.s32 v22, $0xC2FF;
	v22 =	vor.u32 v2, v45;
	v23 =	vld [tilespmem:s21+$0xFFFFFFA0];
	[tilespmem:v51+s5+$0x0] =	vst.idx.msk vm6, v31  }
0x1c0: {  	v24 =	vld [tilespmem:s21+$0xFFFFFFB0];
	[tilespmem:v27+s5+$0x0] =	vst.idx.msk vm7, v32  }
0x1c1: {  	v25 =	vld [tilespmem:s21+$0xFFFFFFC0];
	v26 =	vadd.s32 $0xFFFF3D00, v55;
	[tilespmem:v52+s5+$0x0] =	vst.idx.msk vm4, v36  }
0x1c2: {  	v29 =	vadd.s32 $0xFFFF3D00, v43;
	vm0 =	vgt.s32 v43, $0xC2FF;
	v27 =	vld [tilespmem:s21+$0xFFFFFFD0];
	vm4 =	vgt.s32 v26, $0x0;
	[tilespmem:v35+s5+$0x0] =	vst.idx.msk vm2, v38  }
0x1c3: {  	s24 =	sadd.s32 $0x100, s24;
	vm2 =	vgt.s32 v29, $0x0;
	v31 =	vadd.s32 $0xFFFF3D00, v30;
	v35 =	vld [tilespmem:s21+$0xFFFFFFE0];
	v26 =	vnsel vm4, $0x0, v26;
	[tilespmem:v39+s5+$0x0] =	vst.idx.msk vm3, v37  }
0x1c4: {  	s2 =	sadd.s32 $0xFFFFFF90, s24;
	s12 =	sadd.s32 $0xFFFFFFA0, s24;
	s13 =	sadd.s32 $0xFFFFFFB0, s24;
	v36 =	vmov s24;
	vm3 =	vgt.s32 v31, $0x0;
	v32 =	vadd.s32 $0xFFFF3D00, v23;
	v39 =	vld [tilespmem:s21+$0xFFFFFFF0];
	[tilespmem:v41+s5+$0x0] =	vst.idx.msk vm1, v33  }
0x1c5: {  	s7 =	sadd.s32 $0xFFFFFFC0, s24;
	s4 =	sadd.s32 $0xFFFFFFD0, s24;
	s6 =	sadd.s32 $0xFFFFFFE0, s24;
	v36 =	vshrl.u32 v36, $0x7;
	vm1 =	vgt.s32 v32, $0x0;
	v33 =	vadd.s32 $0xFFFF3D00, v24;
	v41 =	vld [tilespmem:s21+$0x0];
	[tilespmem:v18+s5+$0x0] =	vst.idx.msk vm11, v34  }
0x1c6: {  	s23 =	sadd.s32 $0xFFFFFF10, s24;
	s22 =	sadd.s32 $0xFFFFFFF0, s24;
	v36 =	vshll.u32 v36, v0;
	vm4 =	vgt.s32 v33, $0x0;
	v34 =	vadd.s32 $0xFFFF3D00, v25;
	v43 =	vld [tilespmem:s21+$0x10];
	[tilespmem:v19+s5+$0x0] =	vst.idx.msk vm10, v28  }
0x1c7: {  	v36 =	vbroadcast v36, $0x0;
	vm6 =	vgt.s32 v34, $0x0;
	v28 =	vadd.s32 $0xFFFF3D00, v27;
	v18 =	vld [tilespmem:s21+$0x20];
	[tilespmem:v20+s5+$0x0] =	vst.idx.msk vm8, v40  }
0x1c8: {  	vm7 =	vgt.s32 v55, $0xC2FF;
	v37 =	vadd.s32 $0xFFFF3D00, v35;
	v26 =	vld.idx.msk [tilespmem:v26+s28+$0x0], $0xffff;
	[tilespmem:v21+s5+$0x0] =	vst.idx.msk vm9, v42  }
0x1c9: {  	v36 =	vor.u32 v8, v36;
	vm8 =	vgt.s32 v28, $0x0;
	v38 =	vadd.s32 $0xFFFF3D00, v39;
	v19 =	vld [tilespmem:s21+$0x30];
	[tilespmem:v22+s5+$0x0] =	vst.idx.msk vm5, v44  }
0x1ca: {  	vm5 =	vgt.s32 v37, $0x0;
	vm9 =	vgt.s32 v38, $0x0;
	v40 =	vadd.s32 $0xFFFF3D00, v41;
	v20 =	vld [tilespmem:s21+$0x40]  }
0x1cb: {  	v29 =	vnsel vm2, $0x0, v29;
	vm2 =	vgt.s32 v40, $0x0;
	v42 =	vadd.s32 $0xFFFF3D00, v43;
	v21 =	vld [tilespmem:s21+$0x50]  }
0x1cc: {  	v31 =	vnsel vm3, $0x0, v31;
	vm3 =	vgt.s32 v42, $0x0;
	v44 =	vadd.s32 $0xFFFF3D00, v18;
	v22 =	vld [tilespmem:s21+$0x60]  }
0x1cd: {  	v32 =	vnsel vm1, $0x0, v32;
	v33 =	vnsel vm4, $0x0, v33;
	vm1 =	vgt.s32 v44, $0x0  }
0x1ce: {  	s9 =	simm.s32 $0x1C470;
	v34 =	vnsel vm6, $0x0, v34;
	v28 =	vnsel vm8, $0x0, v28;
	v45 =	vadd.s32 $0xFFFF3D00, v19;
	[tilespmem:v36+s5+$0x0] =	vst.idx.msk vm7, v26  }
0x1cf: {  	v36 =	vnsel vm5, $0x0, v37;
	vm4 =	vgt.s32 v45, $0x0;
	v37 =	vadd.s32 $0xFFFF3D00, v20  }
0x1d0: {  	v38 =	vnsel vm9, $0x0, v38;
	v52 =	vld.idx.msk [tilespmem:v29+s28+$0x0], $0xffff;
	vm5 =	vgt.s32 v37, $0x0;
	v46 =	vadd.s32 $0xFFFF3D00, v21  }
0x1d1: {  	v40 =	vnsel vm2, $0x0, v40;
	v55 =	vld.idx.msk [tilespmem:v31+s28+$0x0], $0xffff;
	vm2 =	vgt.s32 v46, $0x0;
	v47 =	vadd.s32 $0xFFFF3D00, v22  }
0x1d2: {  	v42 =	vnsel vm3, $0x0, v42;
	v44 =	vnsel vm1, $0x0, v44;
	v26 =	vld.idx.msk [tilespmem:v32+s28+$0x0], $0xffff;
	vm1 =	vgt.s32 v47, $0x0  }
0x1d3: {  	v45 =	vnsel vm4, $0x0, v45;
	v48 =	vnsel vm5, $0x0, v37;
	v46 =	vnsel vm2, $0x0, v46;
	v29 =	vld.idx.msk [tilespmem:v33+s28+$0x0], $0xffff  }
0x1d4: {  	v33 =	vmov s23;
	v47 =	vnsel vm1, $0x0, v47;
	v31 =	vld.idx.msk [tilespmem:v34+s28+$0x0], $0xffff;
	v34 =	vmov s2  }
0x1d5: {  	v49 =	vmov s13;
	v50 =	vmov s7;
	v32 =	vld.idx.msk [tilespmem:v28+s28+$0x0], $0xffff;
	v28 =	vmov s12  }
0x1d6: {  	v53 =	vmov s6;
	v54 =	vmov s22;
	v51 =	vmov s4;
	v36 =	vld.idx.msk [tilespmem:v36+s28+$0x0], $0xffff  }
0x1d7: {  	v33 =	vshrl.u32 v33, $0x7;
	v34 =	vshrl.u32 v34, $0x7;
	v28 =	vshrl.u32 v28, $0x7;
	v38 =	vld.idx.msk [tilespmem:v38+s28+$0x0], $0xffff  }
0x1d8: {  	v37 =	vld.idx.msk [tilespmem:v40+s28+$0x0], $0xffff;
	v40 =	vshrl.u32 v49, $0x7;
	v49 =	vshrl.u32 v50, $0x7;
	v50 =	vshrl.u32 v51, $0x7  }
0x1d9: {  	v51 =	vshll.u32 v33, v0;
	v33 =	vld.idx.msk [tilespmem:v42+s28+$0x0], $0xffff;
	v42 =	vshrl.u32 v53, $0x7;
	v53 =	vshrl.u32 v54, $0x7  }
0x1da: {  	v56 =	vshll.u32 v28, v0;
	v54 =	vshll.u32 v34, v0;
	v34 =	vld.idx.msk [tilespmem:v44+s28+$0x0], $0xffff;
	v44 =	vshll.u32 v40, v0  }
0x1db: {  	v57 =	vshll.u32 v50, v0;
	v58 =	vshll.u32 v42, v0;
	v28 =	vld.idx.msk [tilespmem:v45+s28+$0x0], $0xffff;
	v45 =	vshll.u32 v49, v0  }
0x1dc: {  	v59 =	vbroadcast v51, $0x0;
	v60 =	vbroadcast v54, $0x0;
	v51 =	vshll.u32 v53, v0;
	v40 =	vld.idx.msk [tilespmem:v48+s28+$0x0], $0xffff  }
0x1dd: {  	vm1 =	vgt.s32 v30, $0xC2FF;
	v50 =	vbroadcast v56, $0x0;
	v49 =	vbroadcast v44, $0x0;
	v42 =	vld.idx.msk [tilespmem:v46+s28+$0x0], $0xffff  }
0x1de: {  	v30 =	vor.u32 v1, v59;
	v48 =	vbroadcast v45, $0x0;
	v46 =	vbroadcast v57, $0x0;
	v44 =	vld.idx.msk [tilespmem:v47+s28+$0x0], $0xffff  }
0x1df: {  	v56 =	vor.u32 v6, v59;
	v45 =	vbroadcast v51, $0x0;
	v47 =	vbroadcast v58, $0x0  }
.Ltmp7:
0x1e0: {  	vm8 =	vgt.s32 v23, $0xC2FF;
	vm5 =	vgt.s32 v24, $0xC2FF;
	v53 =	vor.u32 v7, v59;
	(pc) =	sbr.rel @p3 .LBB2_15-.Ltmp7, $4  }
0x1e1: {  	vm6 =	vgt.s32 v25, $0xC2FF;
	v54 =	vor.u32 v5, v59;
	v51 =	vor.u32 v4, v59  }
0x1e2: {  	vm7 =	vgt.s32 v27, $0xC2FF;
	vm4 =	vgt.s32 v35, $0xC2FF;
	v27 =	vor.u32 v3, v59  }
0x1e3: {  	vm2 =	vgt.s32 v39, $0xC2FF;
	v35 =	vor.u32 v8, v59;
	[tilespmem:v30+s5+$0x0] =	vst.idx.msk vm0, v52;
	v52 =	vor.u32 v2, v59  }
0x1e4: {  	s21 =	sadd.s32 $0x100, s21;
	vm3 =	vgt.s32 v41, $0xC2FF;
	v39 =	vor.u32 v1, v60;
	[tilespmem:v56+s5+$0x0] =	vst.idx.msk vm1, v55;
	vm1 =	vgt.s32 v43, $0xC2FF  }
0x1e5: {  	_ =	sdelay $0x4  }
0x1e6: {  	[tilespmem:v53+s5+$0x0] =	vst.idx.msk vm8, v26  }
0x1e7: {  	[tilespmem:v54+s5+$0x0] =	vst.idx.msk vm5, v29  }
0x1e8: {  	v23 =	vor.u32 v6, v50;
	vm0 =	vgt.s32 v18, $0xC2FF;
	[tilespmem:v51+s5+$0x0] =	vst.idx.msk vm6, v31  }
0x1e9: {  	v18 =	vor.u32 v7, v49;
	vm9 =	vgt.s32 v19, $0xC2FF;
	[tilespmem:v27+s5+$0x0] =	vst.idx.msk vm7, v32  }
0x1ea: {  	v19 =	vor.u32 v5, v48;
	vm10 =	vgt.s32 v20, $0xC2FF;
	[tilespmem:v52+s5+$0x0] =	vst.idx.msk vm4, v36  }
0x1eb: {  	v20 =	vor.u32 v4, v46;
	vm11 =	vgt.s32 v21, $0xC2FF;
	[tilespmem:v35+s5+$0x0] =	vst.idx.msk vm2, v38  }
0x1ec: {  	v21 =	vor.u32 v3, v47;
	vm2 =	vgt.s32 v22, $0xC2FF;
	[tilespmem:v39+s5+$0x0] =	vst.idx.msk vm3, v37  }
0x1ed: {  	v22 =	vor.u32 v2, v45;
	[tilespmem:v23+s5+$0x0] =	vst.idx.msk vm1, v33  }
0x1ee: {  	[tilespmem:v18+s5+$0x0] =	vst.idx.msk vm0, v34  }
0x1ef: {  	[tilespmem:v19+s5+$0x0] =	vst.idx.msk vm9, v28  }
0x1f0: {  	[tilespmem:v20+s5+$0x0] =	vst.idx.msk vm10, v40  }
0x1f1: {  	[tilespmem:v21+s5+$0x0] =	vst.idx.msk vm11, v42  }
0x1f2: {  	[tilespmem:v22+s5+$0x0] =	vst.idx.msk vm2, v44  }
0x1f3: {  	v25 =	vld [tilespmem:s9+$0x0]  }
0x1f4: {  	v21 =	vld [tilespmem:s9+$0xFFFFFF10]  }
0x1f5: {  	v32 =	vld [tilespmem:s9+$0xFFFFFF20]  }
0x1f6: {  	v33 =	vld [tilespmem:s9+$0xFFFFFF30]  }
0x1f7: {  	v18 =	vld [tilespmem:s9+$0xFFFFFF40]  }
0x1f8: {  	v19 =	vld [tilespmem:s9+$0xFFFFFF50]  }
0x1f9: {  	v20 =	vld [tilespmem:s9+$0xFFFFFF60]  }
0x1fa: {  	v26 =	vadd.s32 $0x80, v9;
	v23 =	vld [tilespmem:s9+$0xFFFFFF90]  }
0x1fb: {  	v26 =	vbroadcast v26, $0x0;
	v24 =	vld [tilespmem:s9+$0xFFFFFFA0]  }
0x1fc: {  	v10 =	vadd.s32 $0x80, v10;
	v11 =	vadd.s32 $0x80, v11;
	v9 =	vld [tilespmem:s9+$0xFFFFFFB0]  }
0x1fd: {  	v47 =	vadd.s32 $0x80, v12;
	v39 =	vor.u32 v8, v26;
	v26 =	vld [tilespmem:s9+$0xFFFFFFD0];
	v22 =	vadd.s32 $0xFFFF3D00, v25  }
0x1fe: {  	v27 =	vld [tilespmem:s9+$0xFFFFFFE0];
	v28 =	vadd.s32 $0xFFFF3D00, v21;
	vm0 =	vgt.s32 v21, $0xC2FF;
	v29 =	vadd.s32 $0xFFFF3D00, v32  }
0x1ff: {  	v31 =	vadd.s32 $0xFFFF3D00, v33;
	v54 =	vadd.s32 $0xFFFF3D00, v18;
	v55 =	vadd.s32 $0xFFFF3D00, v19  }
0x200: {  	v56 =	vadd.s32 $0xFFFF3D00, v20;
	vm3 =	vgt.s32 v25, $0xC2FF;
	v59 =	vadd.s32 $0xFFFF3D00, v23  }
0x201: {  	v60 =	vadd.s32 $0xFFFF3D00, v24;
	v43 =	vadd.s32 $0xFFFF3D00, v9;
	vm1 =	vgt.s32 v22, $0x0  }
0x202: {  	v61 =	vadd.s32 $0xFFFF3D00, v26;
	vm2 =	vgt.s32 v29, $0x0;
	v30 =	vnsel vm1, $0x0, v22  }
0x203: {  	v21 =	vld [tilespmem:s9+$0xFFFFFF70];
	v53 =	vadd.s32 $0xFFFF3D00, v27;
	vm4 =	vgt.s32 v31, $0x0;
	v29 =	vnsel vm2, $0x0, v29  }
0x204: {  	v25 =	vld [tilespmem:s9+$0xFFFFFFC0];
	vm12 =	vgt.s32 v54, $0x0;
	vm13 =	vgt.s32 v55, $0x0;
	v31 =	vnsel vm4, $0x0, v31  }
0x205: {  	vm14 =	vgt.s32 v56, $0x0;
	vm1 =	vgt.s32 v28, $0x0;
	v22 =	vld [tilespmem:s9+$0xFFFFFF80];
	v34 =	vnsel vm12, $0x0, v54  }
0x206: {  	vm9 =	vgt.s32 v59, $0x0;
	v63 =	vnsel vm14, $0x0, v56;
	v41 =	vnsel vm1, $0x0, v28;
	v28 =	vld [tilespmem:s9+$0xFFFFFFF0]  }
0x207: {  	vm2 =	vgt.s32 v60, $0x0;
	vm4 =	vgt.s32 v43, $0x0;
	v62 =	vnsel vm13, $0x0, v55;
	v44 =	vld.idx.msk [tilespmem:v30+s28+$0x0], $0xffff  }
0x208: {  	vm13 =	vgt.s32 v61, $0x0;
	vm14 =	vgt.s32 v53, $0x0;
	v42 =	vnsel vm2, $0x0, v60;
	v36 =	vld.idx.msk [tilespmem:v29+s28+$0x0], $0xffff  }
0x209: {  	v40 =	vnsel vm9, $0x0, v59;
	v56 =	vadd.s32 $0x80, v15;
	v43 =	vnsel vm4, $0x0, v43;
	v37 =	vld.idx.msk [tilespmem:v31+s28+$0x0], $0xffff  }
0x20a: {  	v59 =	vadd.s32 $0x80, v14;
	v45 =	vnsel vm13, $0x0, v61;
	v60 =	vadd.s32 $0x80, v17;
	v31 =	vld.idx.msk [tilespmem:v34+s28+$0x0], $0xffff  }
0x20b: {  	v61 =	vbroadcast v10, $0x0;
	vm2 =	vgt.s32 v32, $0xC2FF;
	v57 =	vadd.s32 $0xFFFF3D00, v21;
	v29 =	vld.idx.msk [tilespmem:v63+s28+$0x0], $0xffff  }
0x20c: {  	v10 =	vbroadcast v60, $0x0;
	vm15 =	vgt.s32 v57, $0x0;
	v58 =	vadd.s32 $0xFFFF3D00, v22;
	v35 =	vld.idx.msk [tilespmem:v41+s28+$0x0], $0xffff  }
0x20d: {  	v30 =	vadd.s32 $0xFFFF3D00, v25;
	v55 =	vnsel vm15, $0x0, v57;
	vm1 =	vgt.s32 v58, $0x0;
	v14 =	vld.idx.msk [tilespmem:v42+s28+$0x0], $0xffff  }
0x20e: {  	v57 =	vadd.s32 $0x80, v16;
	vm12 =	vgt.s32 v30, $0x0;
	v16 =	vld.idx.msk [tilespmem:v43+s28+$0x0], $0xffff;
	v38 =	vnsel vm1, $0x0, v58  }
0x20f: {  	v48 =	vor.u32 v1, v61;
	v54 =	vadd.s32 $0xFFFF3D00, v28;
	v32 =	vld.idx.msk [tilespmem:v45+s28+$0x0], $0xffff;
	v34 =	vnsel vm12, $0x0, v30  }
0x210: {  	v49 =	vor.u32 v6, v61;
	v41 =	vnsel vm14, $0x0, v53;
	vm15 =	vgt.s32 v54, $0x0;
	v30 =	vld.idx.msk [tilespmem:v62+s28+$0x0], $0xffff  }
0x211: {  	v63 =	vbroadcast v11, $0x0;
	v58 =	vadd.s32 $0x80, v13;
	v13 =	vld.idx.msk [tilespmem:v40+s28+$0x0], $0xffff;
	v51 =	vnsel vm15, $0x0, v54  }
0x212: {  	v50 =	vor.u32 v7, v61;
	v46 =	vbroadcast v57, $0x0;
	v62 =	vbroadcast v56, $0x0;
	v15 =	vld.idx.msk [tilespmem:v55+s28+$0x0], $0xffff  }
0x213: {  	v45 =	vor.u32 v5, v61;
	v43 =	vor.u32 v3, v61;
	v42 =	vor.u32 v2, v61;
	v12 =	vld.idx.msk [tilespmem:v38+s28+$0x0], $0xffff  }
0x214: {  	vm1 =	vgt.s32 v33, $0xC2FF;
	v40 =	vor.u32 v1, v62;
	v55 =	vbroadcast v47, $0x0;
	v17 =	vld.idx.msk [tilespmem:v34+s28+$0x0], $0xffff  }
0x215: {  	v11 =	vbroadcast v58, $0x0;
	[tilespmem:v39+s5+$0x0] =	vst.idx.msk vm3, v44;
	v47 =	vbroadcast v59, $0x0;
	v44 =	vor.u32 v4, v61;
	v34 =	vld.idx.msk [tilespmem:v41+s28+$0x0], $0xffff  }
0x216: {  	s0 =	simm.s32 $0x0;
	s24 =	simm.s32 $0x1C570;
	v39 =	vor.u32 v6, v63;
	v41 =	vor.u32 v8, v61;
	v38 =	vor.u32 v7, v55;
	v33 =	vld.idx.msk [tilespmem:v51+s28+$0x0], $0xffff  }
.LBB2_17:
0x217: {  	v51 =	vld [tilespmem:s24+$0x0];
	s0 =	sadd.s32 $0x10, s0;
	v46 =	vor.u32 v5, v46;
	v52 =	vor.u32 v4, v11;
	v47 =	vor.u32 v3, v47  }
0x218: {  	vm3 =	vgt.s32 v18, $0xC2FF;
	vm5 =	vgt.s32 v19, $0xC2FF;
	v53 =	vld [tilespmem:s24+$0xFFFFFF10];
	p3 =	slt.u32 s0, $0x70;
	[tilespmem:v48+s5+$0x0] =	vst.idx.msk vm0, v35;
	v35 =	vor.u32 v2, v10  }
0x219: {  	vm8 =	vgt.s32 v20, $0xC2FF;
	vm10 =	vgt.s32 v21, $0xC2FF;
	vm12 =	vgt.s32 v22, $0xC2FF;
	v10 =	vld [tilespmem:s24+$0xFFFFFF20];
	[tilespmem:v49+s5+$0x0] =	vst.idx.msk vm2, v36  }
0x21a: {  	vm11 =	vgt.s32 v23, $0xC2FF;
	vm9 =	vgt.s32 v24, $0xC2FF;
	vm7 =	vgt.s32 v9, $0xC2FF;
	v11 =	vld [tilespmem:s24+$0xFFFFFF30];
	[tilespmem:v50+s5+$0x0] =	vst.idx.msk vm1, v37  }
0x21b: {  	vm6 =	vgt.s32 v25, $0xC2FF;
	vm4 =	vgt.s32 v26, $0xC2FF;
	vm2 =	vgt.s32 v27, $0xC2FF;
	v18 =	vld [tilespmem:s24+$0xFFFFFF40]  }
0x21c: {  	vm1 =	vgt.s32 v28, $0xC2FF;
	v19 =	vld [tilespmem:s24+$0xFFFFFF50];
	v9 =	vadd.s32 $0xFFFF3D00, v51  }
0x21d: {  	s10 =	sadd.s32 $0x100, s10;
	v36 =	vadd.s32 $0xFFFF3D00, v53;
	vm0 =	vgt.s32 v53, $0xC2FF;
	v20 =	vld [tilespmem:s24+$0xFFFFFF60];
	vm13 =	vgt.s32 v9, $0x0  }
0x21e: {  	s9 =	sadd.s32 $0xFFFFFF90, s10;
	s6 =	sadd.s32 $0xFFFFFFA0, s10;
	s4 =	sadd.s32 $0xFFFFFFB0, s10;
	v37 =	vadd.s32 $0xFFFF3D00, v10;
	v21 =	vld [tilespmem:s24+$0xFFFFFF70];
	v25 =	vnsel vm13, $0x0, v9;
	v9 =	vmov s10;
	[tilespmem:v45+s5+$0x0] =	vst.idx.msk vm3, v31  }
0x21f: {  	s12 =	sadd.s32 $0xFFFFFFC0, s10;
	s13 =	sadd.s32 $0xFFFFFFD0, s10;
	s2 =	sadd.s32 $0xFFFFFFE0, s10;
	vm3 =	vgt.s32 v36, $0x0;
	v31 =	vadd.s32 $0xFFFF3D00, v11;
	v22 =	vld [tilespmem:s24+$0xFFFFFF80];
	v9 =	vshrl.u32 v9, $0x7;
	[tilespmem:v44+s5+$0x0] =	vst.idx.msk vm5, v30  }
0x220: {  	s21 =	sadd.s32 $0xFFFFFF10, s10;
	s7 =	sadd.s32 $0xFFFFFFF0, s10;
	vm5 =	vgt.s32 v37, $0x0;
	v30 =	vadd.s32 $0xFFFF3D00, v18;
	v23 =	vld [tilespmem:s24+$0xFFFFFF90];
	v9 =	vshll.u32 v9, v0;
	[tilespmem:v43+s5+$0x0] =	vst.idx.msk vm8, v29  }
0x221: {  	vm8 =	vgt.s32 v31, $0x0;
	v29 =	vadd.s32 $0xFFFF3D00, v19;
	v24 =	vld [tilespmem:s24+$0xFFFFFFA0];
	v26 =	vadd.s32 $0x80, v9;
	[tilespmem:v42+s5+$0x0] =	vst.idx.msk vm10, v15  }
0x222: {  	vm10 =	vgt.s32 v30, $0x0;
	v15 =	vadd.s32 $0xFFFF3D00, v20;
	v9 =	vld [tilespmem:s24+$0xFFFFFFB0];
	v26 =	vbroadcast v26, $0x0;
	[tilespmem:v41+s5+$0x0] =	vst.idx.msk vm12, v12  }
0x223: {  	vm14 =	vgt.s32 v51, $0xC2FF;
	vm12 =	vgt.s32 v29, $0x0;
	v12 =	vadd.s32 $0xFFFF3D00, v21;
	v41 =	vld.idx.msk [tilespmem:v25+s28+$0x0], $0xffff;
	[tilespmem:v40+s5+$0x0] =	vst.idx.msk vm11, v13  }
0x224: {  	vm11 =	vgt.s32 v15, $0x0;
	v13 =	vadd.s32 $0xFFFF3D00, v22;
	v25 =	vld [tilespmem:s24+$0xFFFFFFC0];
	v40 =	vor.u32 v8, v26;
	[tilespmem:v39+s5+$0x0] =	vst.idx.msk vm9, v14  }
0x225: {  	vm9 =	vgt.s32 v12, $0x0;
	vm13 =	vgt.s32 v13, $0x0;
	v14 =	vadd.s32 $0xFFFF3D00, v23;
	v26 =	vld [tilespmem:s24+$0xFFFFFFD0];
	[tilespmem:v38+s5+$0x0] =	vst.idx.msk vm7, v16  }
0x226: {  	v16 =	vmov s21;
	vm7 =	vgt.s32 v14, $0x0;
	v38 =	vadd.s32 $0xFFFF3D00, v24;
	v27 =	vld [tilespmem:s24+$0xFFFFFFE0];
	[tilespmem:v46+s5+$0x0] =	vst.idx.msk vm6, v17  }
0x227: {  	v17 =	vmov s9;
	vm6 =	vgt.s32 v38, $0x0;
	v39 =	vadd.s32 $0xFFFF3D00, v9;
	v28 =	vld [tilespmem:s24+$0xFFFFFFF0];
	[tilespmem:v52+s5+$0x0] =	vst.idx.msk vm4, v32  }
0x228: {  	v42 =	vmov s4;
	v32 =	vmov s6;
	vm4 =	vgt.s32 v39, $0x0;
	[tilespmem:v47+s5+$0x0] =	vst.idx.msk vm2, v34  }
0x229: {  	v44 =	vmov s13;
	v43 =	vmov s12;
	s21 =	simm.s32 $0xF0;
	s9 =	simm.s32 $0x1CC70;
	v34 =	vadd.s32 $0xFFFF3D00, v25;
	[tilespmem:v40+s5+$0x0] =	vst.idx.msk vm14, v41  }
0x22a: {  	v41 =	vmov s2;
	vm2 =	vgt.s32 v34, $0x0;
	v40 =	vadd.s32 $0xFFFF3D00, v26;
	[tilespmem:v35+s5+$0x0] =	vst.idx.msk vm1, v33  }
0x22b: {  	v45 =	vmov s7;
	vm1 =	vgt.s32 v40, $0x0;
	v33 =	vadd.s32 $0xFFFF3D00, v27  }
0x22c: {  	v35 =	vnsel vm3, $0x0, v36;
	vm3 =	vgt.s32 v33, $0x0;
	v36 =	vadd.s32 $0xFFFF3D00, v28  }
0x22d: {  	v37 =	vnsel vm5, $0x0, v37;
	v31 =	vnsel vm8, $0x0, v31;
	vm5 =	vgt.s32 v36, $0x0  }
0x22e: {  	v30 =	vnsel vm10, $0x0, v30;
	v29 =	vnsel vm12, $0x0, v29;
	v15 =	vnsel vm11, $0x0, v15  }
0x22f: {  	v12 =	vnsel vm9, $0x0, v12;
	v13 =	vnsel vm13, $0x0, v13;
	v14 =	vnsel vm7, $0x0, v14  }
0x230: {  	v38 =	vnsel vm6, $0x0, v38;
	v39 =	vnsel vm4, $0x0, v39;
	v34 =	vnsel vm2, $0x0, v34  }
0x231: {  	v40 =	vnsel vm1, $0x0, v40;
	v33 =	vnsel vm3, $0x0, v33;
	v51 =	vnsel vm5, $0x0, v36;
	v35 =	vld.idx.msk [tilespmem:v35+s28+$0x0], $0xffff  }
0x232: {  	v16 =	vshrl.u32 v16, $0x7;
	v17 =	vshrl.u32 v17, $0x7;
	v32 =	vshrl.u32 v32, $0x7;
	v36 =	vld.idx.msk [tilespmem:v37+s28+$0x0], $0xffff  }
0x233: {  	v44 =	vshrl.u32 v44, $0x7;
	v43 =	vshrl.u32 v43, $0x7;
	v42 =	vshrl.u32 v42, $0x7;
	v37 =	vld.idx.msk [tilespmem:v31+s28+$0x0], $0xffff  }
0x234: {  	v45 =	vshrl.u32 v45, $0x7;
	v16 =	vshll.u32 v16, v0;
	v41 =	vshrl.u32 v41, $0x7;
	v31 =	vld.idx.msk [tilespmem:v30+s28+$0x0], $0xffff  }
0x235: {  	v42 =	vshll.u32 v42, v0;
	v17 =	vshll.u32 v17, v0;
	v32 =	vshll.u32 v32, v0;
	v30 =	vld.idx.msk [tilespmem:v29+s28+$0x0], $0xffff  }
0x236: {  	v44 =	vshll.u32 v44, v0;
	v43 =	vshll.u32 v43, v0;
	v41 =	vshll.u32 v41, v0;
	v29 =	vld.idx.msk [tilespmem:v15+s28+$0x0], $0xffff  }
0x237: {  	v45 =	vshll.u32 v45, v0;
	v16 =	vadd.s32 $0x80, v16;
	v17 =	vadd.s32 $0x80, v17;
	v15 =	vld.idx.msk [tilespmem:v12+s28+$0x0], $0xffff  }
0x238: {  	v43 =	vadd.s32 $0x80, v43;
	v42 =	vadd.s32 $0x80, v42;
	v32 =	vadd.s32 $0x80, v32;
	v12 =	vld.idx.msk [tilespmem:v13+s28+$0x0], $0xffff  }
0x239: {  	v45 =	vadd.s32 $0x80, v45;
	v44 =	vadd.s32 $0x80, v44;
	v41 =	vadd.s32 $0x80, v41;
	v13 =	vld.idx.msk [tilespmem:v14+s28+$0x0], $0xffff  }
0x23a: {  	v52 =	vbroadcast v16, $0x0;
	v53 =	vbroadcast v17, $0x0;
	vm2 =	vgt.s32 v10, $0xC2FF;
	v14 =	vld.idx.msk [tilespmem:v38+s28+$0x0], $0xffff  }
0x23b: {  	v54 =	vbroadcast v42, $0x0;
	vm1 =	vgt.s32 v11, $0xC2FF;
	v38 =	vbroadcast v32, $0x0;
	v16 =	vld.idx.msk [tilespmem:v39+s28+$0x0], $0xffff  }
.Ltmp8:
0x23c: {  	v46 =	vbroadcast v43, $0x0;
	v48 =	vor.u32 v1, v52;
	v11 =	vbroadcast v44, $0x0;
	v17 =	vld.idx.msk [tilespmem:v34+s28+$0x0], $0xffff;
	(pc) =	sbr.rel @p3 .LBB2_17-.Ltmp8, $4  }
0x23d: {  	v49 =	vor.u32 v6, v52;
	v10 =	vbroadcast v45, $0x0;
	v47 =	vbroadcast v41, $0x0;
	v32 =	vld.idx.msk [tilespmem:v40+s28+$0x0], $0xffff  }
0x23e: {  	v50 =	vor.u32 v7, v52;
	v45 =	vor.u32 v5, v52;
	v44 =	vor.u32 v4, v52;
	v34 =	vld.idx.msk [tilespmem:v33+s28+$0x0], $0xffff  }
0x23f: {  	v43 =	vor.u32 v3, v52;
	v42 =	vor.u32 v2, v52;
	v41 =	vor.u32 v8, v52;
	v33 =	vld.idx.msk [tilespmem:v51+s28+$0x0], $0xffff  }
0x240: {  	s24 =	sadd.s32 $0x100, s24;
	v39 =	vor.u32 v6, v38;
	v38 =	vor.u32 v7, v54;
	v40 =	vor.u32 v1, v53  }
0x241: {  	_ =	sdelay $0x1  }
0x242: {  	vm3 =	vgt.s32 v18, $0xC2FF  }
0x243: {  	vm4 =	vgt.s32 v19, $0xC2FF  }
0x244: {  	vm5 =	vgt.s32 v20, $0xC2FF  }
0x245: {  	[tilespmem:v48+s5+$0x0] =	vst.idx.msk vm0, v35;
	vm0 =	vgt.s32 v21, $0xC2FF  }
0x246: {  	[tilespmem:v49+s5+$0x0] =	vst.idx.msk vm2, v36;
	vm2 =	vgt.s32 v22, $0xC2FF  }
0x247: {  	[tilespmem:v50+s5+$0x0] =	vst.idx.msk vm1, v37;
	vm1 =	vgt.s32 v23, $0xC2FF  }
0x248: {  	vm6 =	vgt.s32 v24, $0xC2FF;
	[tilespmem:v45+s5+$0x0] =	vst.idx.msk vm3, v31  }
0x249: {  	vm3 =	vgt.s32 v9, $0xC2FF;
	[tilespmem:v44+s5+$0x0] =	vst.idx.msk vm4, v30  }
0x24a: {  	vm4 =	vgt.s32 v25, $0xC2FF;
	[tilespmem:v43+s5+$0x0] =	vst.idx.msk vm5, v29  }
0x24b: {  	v9 =	vor.u32 v5, v46;
	vm5 =	vgt.s32 v26, $0xC2FF;
	[tilespmem:v42+s5+$0x0] =	vst.idx.msk vm0, v15  }
0x24c: {  	v11 =	vor.u32 v4, v11;
	vm0 =	vgt.s32 v27, $0xC2FF;
	[tilespmem:v41+s5+$0x0] =	vst.idx.msk vm2, v12  }
0x24d: {  	v12 =	vor.u32 v3, v47;
	vm2 =	vgt.s32 v28, $0xC2FF;
	[tilespmem:v40+s5+$0x0] =	vst.idx.msk vm1, v13  }
0x24e: {  	v10 =	vor.u32 v2, v10;
	[tilespmem:v39+s5+$0x0] =	vst.idx.msk vm6, v14  }
0x24f: {  	[tilespmem:v38+s5+$0x0] =	vst.idx.msk vm3, v16  }
0x250: {  	[tilespmem:v9+s5+$0x0] =	vst.idx.msk vm4, v17  }
0x251: {  	[tilespmem:v11+s5+$0x0] =	vst.idx.msk vm5, v32  }
0x252: {  	[tilespmem:v12+s5+$0x0] =	vst.idx.msk vm0, v34  }
0x253: {  	[tilespmem:v10+s5+$0x0] =	vst.idx.msk vm2, v33  }
0x254: {  	v10 =	vld [tilespmem:s9+$0x0]  }
0x255: {  	v9 =	vld [tilespmem:s9+$0xFFFFFF10]  }
0x256: {  	v30 =	vld [tilespmem:s9+$0xFFFFFF20]  }
0x257: {  	v36 =	vld [tilespmem:s9+$0xFFFFFF30]  }
0x258: {  	v18 =	vld [tilespmem:s9+$0xFFFFFF40]  }
0x259: {  	v19 =	vld [tilespmem:s9+$0xFFFFFF50]  }
0x25a: {  	s2 =	simm.s32 $0x80;
	v20 =	vld [tilespmem:s9+$0xFFFFFF60]  }
0x25b: {  	s4 =	simm.s32 $0xA0;
	s22 =	simm.s32 $0xB0;
	s24 =	simm.s32 $0xE0;
	v35 =	vmov s2;
	v21 =	vld [tilespmem:s9+$0xFFFFFF70]  }
0x25c: {  	s0 =	simm.s32 $0x0;
	s6 =	simm.s32 $0xC0;
	s23 =	simm.s32 $0xD0;
	v48 =	vmov s24;
	v39 =	vmov s4;
	v42 =	vmov s22;
	v24 =	vld [tilespmem:s9+$0xFFFFFFA0]  }
0x25d: {  	s13 =	simm.s32 $0x90;
	v43 =	vmov s6;
	v47 =	vmov s23;
	v33 =	vmov s0  }
0x25e: {  	v38 =	vmov s13;
	v11 =	vadd.s32 $0xFFFF3D00, v10;
	v12 =	vadd.s32 $0xFFFF3D00, v9  }
0x25f: {  	vm0 =	vgt.s32 v9, $0xC2FF;
	v13 =	vadd.s32 $0xFFFF3D00, v30;
	v9 =	vmov s21  }
0x260: {  	v14 =	vadd.s32 $0xFFFF3D00, v36;
	v15 =	vadd.s32 $0xFFFF3D00, v18;
	v16 =	vadd.s32 $0xFFFF3D00, v19  }
0x261: {  	v22 =	vld [tilespmem:s9+$0xFFFFFF80];
	v31 =	vadd.s32 $0xFFFF3D00, v20;
	v60 =	vadd.s32 $0xFFFF3D00, v21;
	v61 =	vadd.s32 $0xFFFF3D00, v24  }
0x262: {  	vm1 =	vgt.s32 v11, $0x0;
	vm3 =	vgt.s32 v12, $0x0;
	v9 =	vshrl.u32 v9, $0x7  }
0x263: {  	vm2 =	vgt.s32 v13, $0x0;
	vm4 =	vgt.s32 v14, $0x0;
	v9 =	vshll.u32 v9, v0  }
0x264: {  	v23 =	vld [tilespmem:s9+$0xFFFFFF90];
	vm5 =	vgt.s32 v15, $0x0;
	vm6 =	vgt.s32 v16, $0x0;
	vm7 =	vgt.s32 v31, $0x0;
	[tilespmem:$0x1FFF0] =	vst v9  }
0x265: {  	vm8 =	vgt.s32 v60, $0x0;
	vm11 =	vgt.s32 v61, $0x0;
	v11 =	vnsel vm1, $0x0, v11;
	v25 =	vld [tilespmem:s9+$0xFFFFFFB0]  }
0x266: {  	vm1 =	vgt.s32 v10, $0xC2FF;
	v10 =	vadd.s32 $0xFFFF3D00, v22;
	v12 =	vnsel vm3, $0x0, v12;
	v26 =	vld [tilespmem:s9+$0xFFFFFFC0]  }
0x267: {  	v13 =	vnsel vm2, $0x0, v13;
	v14 =	vnsel vm4, $0x0, v14;
	v15 =	vnsel vm5, $0x0, v15;
	v27 =	vld [tilespmem:s9+$0xFFFFFFD0]  }
0x268: {  	v16 =	vnsel vm6, $0x0, v16;
	v31 =	vnsel vm7, $0x0, v31;
	v17 =	vadd.s32 $0x100, v9;
	v28 =	vld [tilespmem:s9+$0xFFFFFFE0]  }
0x269: {  	v32 =	vnsel vm8, $0x0, v60;
	vm9 =	vgt.s32 v10, $0x0;
	v17 =	vbroadcast v17, $0x0;
	v29 =	vld [tilespmem:s9+$0xFFFFFFF0]  }
0x26a: {  	v51 =	vnsel vm11, $0x0, v61;
	v57 =	vnsel vm9, $0x0, v10;
	v10 =	vshrl.u32 v33, $0x7;
	v53 =	vld.idx.msk [tilespmem:v11+s28+$0x0], $0xffff  }
0x26b: {  	v10 =	vshll.u32 v10, v0;
	v40 =	vor.u32 v8, v17;
	v17 =	vadd.s32 $0xFFFF3D00, v23;
	v44 =	vld.idx.msk [tilespmem:v12+s28+$0x0], $0xffff  }
0x26c: {  	vm10 =	vgt.s32 v17, $0x0;
	v11 =	vshrl.u32 v35, $0x7;
	v12 =	vshrl.u32 v38, $0x7;
	v45 =	vld.idx.msk [tilespmem:v13+s28+$0x0], $0xffff  }
0x26d: {  	v13 =	vshrl.u32 v39, $0x7;
	v46 =	vld.idx.msk [tilespmem:v14+s28+$0x0], $0xffff;
	v14 =	vshrl.u32 v47, $0x7;
	v50 =	vnsel vm10, $0x0, v17  }
0x26e: {  	v37 =	vld.idx.msk [tilespmem:v15+s28+$0x0], $0xffff;
	v17 =	vshrl.u32 v42, $0x7;
	v15 =	vshll.u32 v11, v0;
	v11 =	vshll.u32 v12, v0  }
0x26f: {  	v12 =	vshll.u32 v13, v0;
	v14 =	vshll.u32 v14, v0;
	v62 =	vadd.s32 $0xFFFF3D00, v25  }
0x270: {  	v63 =	vadd.s32 $0xFFFF3D00, v26;
	v56 =	vadd.s32 $0xFFFF3D00, v27;
	v58 =	vadd.s32 $0xFFFF3D00, v28  }
0x271: {  	v34 =	vld.idx.msk [tilespmem:v16+s28+$0x0], $0xffff;
	v59 =	vadd.s32 $0xFFFF3D00, v29;
	v16 =	vshll.u32 v17, v0;
	v42 =	vadd.s32 $0x100, v11  }
0x272: {  	v49 =	vadd.s32 $0x100, v14;
	vm12 =	vgt.s32 v62, $0x0;
	vm13 =	vgt.s32 v63, $0x0  }
0x273: {  	vm3 =	vgt.s32 v56, $0x0;
	vm2 =	vgt.s32 v58, $0x0;
	vm4 =	vgt.s32 v59, $0x0  }
0x274: {  	v55 =	vadd.s32 $0x100, v16;
	v52 =	vnsel vm12, $0x0, v62;
	v41 =	vnsel vm13, $0x0, v63  }
0x275: {  	v54 =	vnsel vm3, $0x0, v56;
	v60 =	vnsel vm2, $0x0, v58;
	v61 =	vnsel vm4, $0x0, v59  }
0x276: {  	v31 =	vld.idx.msk [tilespmem:v31+s28+$0x0], $0xffff;
	v58 =	vshrl.u32 v43, $0x7;
	v59 =	vshrl.u32 v48, $0x7;
	v62 =	vadd.s32 $0x100, v10  }
0x277: {  	v35 =	vld.idx.msk [tilespmem:v32+s28+$0x0], $0xffff;
	v63 =	vadd.s32 $0x100, v15;
	v43 =	vadd.s32 $0x100, v12;
	vm3 =	vgt.s32 v30, $0xC2FF  }
0x278: {  	v38 =	vld.idx.msk [tilespmem:v51+s28+$0x0], $0xffff;
	vm2 =	vgt.s32 v36, $0xC2FF;
	v55 =	vbroadcast v55, $0x0;
	v56 =	vbroadcast v49, $0x0  }
0x279: {  	v32 =	vld.idx.msk [tilespmem:v57+s28+$0x0], $0xffff;
	v13 =	vshll.u32 v58, v0;
	v17 =	vshll.u32 v59, v0;
	v9 =	vbroadcast v43, $0x0  }
0x27a: {  	v48 =	vadd.s32 $0x100, v13;
	v33 =	vld.idx.msk [tilespmem:v50+s28+$0x0], $0xffff;
	v50 =	vbroadcast v62, $0x0;
	v62 =	vbroadcast v63, $0x0  }
0x27b: {  	[tilespmem:v40+s5+$0x0] =	vst.idx.msk vm1, v53;
	v59 =	vadd.s32 $0x100, v17;
	v63 =	vbroadcast v42, $0x0;
	v36 =	vbroadcast v48, $0x0;
	v39 =	vld.idx.msk [tilespmem:v52+s28+$0x0], $0xffff  }
0x27c: {  	v30 =	vbroadcast v59, $0x0;
	v47 =	vor.u32 v7, v9;
	v57 =	vor.u32 v1, v50;
	v40 =	vld.idx.msk [tilespmem:v41+s28+$0x0], $0xffff  }
0x27d: {  	v58 =	vor.u32 v6, v50;
	v59 =	vor.u32 v7, v50;
	v53 =	vor.u32 v4, v50;
	v41 =	vld.idx.msk [tilespmem:v54+s28+$0x0], $0xffff  }
0x27e: {  	v51 =	vor.u32 v2, v50;
	v49 =	vor.u32 v1, v62;
	v48 =	vor.u32 v6, v63;
	v43 =	vld.idx.msk [tilespmem:v60+s28+$0x0], $0xffff  }
0x27f: {  	s10 =	simm.s32 $0x1CD70;
	s24 =	simm.s32 $0xF0;
	s0 =	simm.s32 $0x0;
	v54 =	vor.u32 v5, v50;
	v52 =	vor.u32 v3, v50;
	v50 =	vor.u32 v8, v50;
	v42 =	vld.idx.msk [tilespmem:v61+s28+$0x0], $0xffff  }
.LBB2_19:
0x280: {  	v9 =	vld [tilespmem:s10+$0x0];
	s0 =	sadd.s32 $0x10, s0;
	v55 =	vor.u32 v5, v55;
	v60 =	vor.u32 v4, v36;
	v56 =	vor.u32 v3, v56  }
0x281: {  	vm13 =	vgt.s32 v18, $0xC2FF;
	vm6 =	vgt.s32 v19, $0xC2FF;
	v61 =	vld [tilespmem:s10+$0xFFFFFF10];
	p3 =	slt.u32 s0, $0x70;
	[tilespmem:v57+s5+$0x0] =	vst.idx.msk vm0, v44;
	v44 =	vor.u32 v2, v30  }
0x282: {  	vm8 =	vgt.s32 v20, $0xC2FF;
	vm10 =	vgt.s32 v21, $0xC2FF;
	vm12 =	vgt.s32 v22, $0xC2FF;
	v30 =	vld [tilespmem:s10+$0xFFFFFF20];
	[tilespmem:v58+s5+$0x0] =	vst.idx.msk vm3, v45  }
0x283: {  	vm11 =	vgt.s32 v23, $0xC2FF;
	vm9 =	vgt.s32 v24, $0xC2FF;
	vm7 =	vgt.s32 v25, $0xC2FF;
	v36 =	vld [tilespmem:s10+$0xFFFFFF30];
	[tilespmem:v59+s5+$0x0] =	vst.idx.msk vm2, v46  }
0x284: {  	vm5 =	vgt.s32 v26, $0xC2FF;
	vm4 =	vgt.s32 v27, $0xC2FF;
	vm2 =	vgt.s32 v28, $0xC2FF;
	v18 =	vld [tilespmem:s10+$0xFFFFFF40]  }
0x285: {  	vm1 =	vgt.s32 v29, $0xC2FF;
	v19 =	vld [tilespmem:s10+$0xFFFFFF50];
	v22 =	vadd.s32 $0xFFFF3D00, v9  }
0x286: {  	s24 =	sadd.s32 $0x100, s24;
	v45 =	vadd.s32 $0xFFFF3D00, v61;
	vm0 =	vgt.s32 v61, $0xC2FF;
	v20 =	vld [tilespmem:s10+$0xFFFFFF60];
	vm3 =	vgt.s32 v22, $0x0  }
0x287: {  	s9 =	sadd.s32 $0xFFFFFF90, s24;
	s6 =	sadd.s32 $0xFFFFFFA0, s24;
	s4 =	sadd.s32 $0xFFFFFFB0, s24;
	v23 =	vmov s24;
	v46 =	vadd.s32 $0xFFFF3D00, v30;
	v21 =	vld [tilespmem:s10+$0xFFFFFF70];
	v26 =	vnsel vm3, $0x0, v22;
	[tilespmem:v54+s5+$0x0] =	vst.idx.msk vm13, v37  }
0x288: {  	s12 =	sadd.s32 $0xFFFFFFC0, s24;
	s13 =	sadd.s32 $0xFFFFFFD0, s24;
	s2 =	sadd.s32 $0xFFFFFFE0, s24;
	v24 =	vshrl.u32 v23, $0x7;
	vm3 =	vgt.s32 v45, $0x0;
	v37 =	vadd.s32 $0xFFFF3D00, v36;
	v22 =	vld [tilespmem:s10+$0xFFFFFF80];
	[tilespmem:v53+s5+$0x0] =	vst.idx.msk vm6, v34  }
0x289: {  	s22 =	sadd.s32 $0xFFFFFF10, s24;
	s7 =	sadd.s32 $0xFFFFFFF0, s24;
	v25 =	vshll.u32 v24, v0;
	vm6 =	vgt.s32 v46, $0x0;
	v34 =	vadd.s32 $0xFFFF3D00, v18;
	v23 =	vld [tilespmem:s10+$0xFFFFFF90];
	[tilespmem:v52+s5+$0x0] =	vst.idx.msk vm8, v31  }
0x28a: {  	v27 =	vadd.s32 $0x100, v25;
	vm8 =	vgt.s32 v37, $0x0;
	v31 =	vadd.s32 $0xFFFF3D00, v19;
	v24 =	vld [tilespmem:s10+$0xFFFFFFA0];
	[tilespmem:v51+s5+$0x0] =	vst.idx.msk vm10, v35  }
0x28b: {  	v27 =	vbroadcast v27, $0x0;
	vm10 =	vgt.s32 v34, $0x0;
	v35 =	vadd.s32 $0xFFFF3D00, v20;
	v25 =	vld [tilespmem:s10+$0xFFFFFFB0];
	[tilespmem:v50+s5+$0x0] =	vst.idx.msk vm12, v32  }
0x28c: {  	vm14 =	vgt.s32 v9, $0xC2FF;
	vm12 =	vgt.s32 v31, $0x0;
	v32 =	vadd.s32 $0xFFFF3D00, v21;
	v50 =	vld.idx.msk [tilespmem:v26+s28+$0x0], $0xffff;
	[tilespmem:v49+s5+$0x0] =	vst.idx.msk vm11, v33  }
0x28d: {  	vm11 =	vgt.s32 v35, $0x0;
	v33 =	vor.u32 v8, v27;
	v9 =	vadd.s32 $0xFFFF3D00, v22;
	v26 =	vld [tilespmem:s10+$0xFFFFFFC0];
	[tilespmem:v48+s5+$0x0] =	vst.idx.msk vm9, v38  }
0x28e: {  	vm9 =	vgt.s32 v32, $0x0;
	vm13 =	vgt.s32 v9, $0x0;
	v38 =	vadd.s32 $0xFFFF3D00, v23;
	v27 =	vld [tilespmem:s10+$0xFFFFFFD0];
	[tilespmem:v47+s5+$0x0] =	vst.idx.msk vm7, v39  }
0x28f: {  	v39 =	vmov s22;
	vm7 =	vgt.s32 v38, $0x0;
	v47 =	vadd.s32 $0xFFFF3D00, v24;
	v28 =	vld [tilespmem:s10+$0xFFFFFFE0];
	[tilespmem:v55+s5+$0x0] =	vst.idx.msk vm5, v40  }
0x290: {  	v40 =	vmov s9;
	vm5 =	vgt.s32 v47, $0x0;
	v48 =	vadd.s32 $0xFFFF3D00, v25;
	v29 =	vld [tilespmem:s10+$0xFFFFFFF0];
	[tilespmem:v60+s5+$0x0] =	vst.idx.msk vm4, v41  }
0x291: {  	v49 =	vmov s4;
	v41 =	vmov s6;
	vm4 =	vgt.s32 v48, $0x0;
	[tilespmem:v56+s5+$0x0] =	vst.idx.msk vm2, v43  }
0x292: {  	v52 =	vmov s13;
	v51 =	vmov s12;
	s9 =	simm.s32 $0x1D470;
	v43 =	vadd.s32 $0xFFFF3D00, v26;
	[tilespmem:v33+s5+$0x0] =	vst.idx.msk vm14, v50  }
0x293: {  	v50 =	vmov s2;
	vm2 =	vgt.s32 v43, $0x0;
	v33 =	vadd.s32 $0xFFFF3D00, v27;
	[tilespmem:v44+s5+$0x0] =	vst.idx.msk vm1, v42  }
0x294: {  	v53 =	vmov s7;
	vm1 =	vgt.s32 v33, $0x0;
	v42 =	vadd.s32 $0xFFFF3D00, v28  }
0x295: {  	v44 =	vnsel vm3, $0x0, v45;
	vm3 =	vgt.s32 v42, $0x0;
	v45 =	vadd.s32 $0xFFFF3D00, v29  }
0x296: {  	v46 =	vnsel vm6, $0x0, v46;
	v37 =	vnsel vm8, $0x0, v37;
	vm6 =	vgt.s32 v45, $0x0  }
0x297: {  	v34 =	vnsel vm10, $0x0, v34;
	v31 =	vnsel vm12, $0x0, v31;
	v35 =	vnsel vm11, $0x0, v35  }
0x298: {  	v32 =	vnsel vm9, $0x0, v32;
	v9 =	vnsel vm13, $0x0, v9;
	v38 =	vnsel vm7, $0x0, v38  }
0x299: {  	v47 =	vnsel vm5, $0x0, v47;
	v48 =	vnsel vm4, $0x0, v48;
	v43 =	vnsel vm2, $0x0, v43  }
0x29a: {  	v54 =	vnsel vm1, $0x0, v33;
	v42 =	vnsel vm3, $0x0, v42;
	v60 =	vnsel vm6, $0x0, v45;
	v44 =	vld.idx.msk [tilespmem:v44+s28+$0x0], $0xffff  }
0x29b: {  	v33 =	vshrl.u32 v39, $0x7;
	v39 =	vshrl.u32 v40, $0x7;
	v40 =	vshrl.u32 v41, $0x7;
	v45 =	vld.idx.msk [tilespmem:v46+s28+$0x0], $0xffff  }
0x29c: {  	v41 =	vshrl.u32 v49, $0x7;
	v49 =	vshrl.u32 v51, $0x7;
	v51 =	vshrl.u32 v52, $0x7;
	v46 =	vld.idx.msk [tilespmem:v37+s28+$0x0], $0xffff  }
0x29d: {  	v50 =	vshrl.u32 v50, $0x7;
	v52 =	vshrl.u32 v53, $0x7;
	v33 =	vshll.u32 v33, v0;
	v37 =	vld.idx.msk [tilespmem:v34+s28+$0x0], $0xffff  }
0x29e: {  	v39 =	vshll.u32 v39, v0;
	v40 =	vshll.u32 v40, v0;
	v41 =	vshll.u32 v41, v0;
	v34 =	vld.idx.msk [tilespmem:v31+s28+$0x0], $0xffff  }
0x29f: {  	v50 =	vshll.u32 v50, v0;
	v49 =	vshll.u32 v49, v0;
	v51 =	vshll.u32 v51, v0;
	v31 =	vld.idx.msk [tilespmem:v35+s28+$0x0], $0xffff  }
0x2a0: {  	v52 =	vshll.u32 v52, v0;
	v53 =	vadd.s32 $0x100, v33;
	v39 =	vadd.s32 $0x100, v39;
	v35 =	vld.idx.msk [tilespmem:v32+s28+$0x0], $0xffff  }
0x2a1: {  	v32 =	vld.idx.msk [tilespmem:v9+s28+$0x0], $0xffff;
	v9 =	vadd.s32 $0x100, v40;
	v40 =	vadd.s32 $0x100, v41;
	v41 =	vadd.s32 $0x100, v49  }
0x2a2: {  	v50 =	vadd.s32 $0x100, v50;
	v49 =	vadd.s32 $0x100, v51;
	v51 =	vadd.s32 $0x100, v52;
	v33 =	vld.idx.msk [tilespmem:v38+s28+$0x0], $0xffff  }
0x2a3: {  	vm3 =	vgt.s32 v30, $0xC2FF;
	v61 =	vbroadcast v53, $0x0;
	v62 =	vbroadcast v39, $0x0;
	v38 =	vld.idx.msk [tilespmem:v47+s28+$0x0], $0xffff  }
0x2a4: {  	vm2 =	vgt.s32 v36, $0xC2FF;
	v9 =	vbroadcast v9, $0x0;
	v47 =	vbroadcast v40, $0x0;
	v39 =	vld.idx.msk [tilespmem:v48+s28+$0x0], $0xffff  }
.Ltmp9:
0x2a5: {  	v57 =	vor.u32 v1, v61;
	v55 =	vbroadcast v41, $0x0;
	v36 =	vbroadcast v49, $0x0;
	v40 =	vld.idx.msk [tilespmem:v43+s28+$0x0], $0xffff;
	(pc) =	sbr.rel @p3 .LBB2_19-.Ltmp9, $4  }
0x2a6: {  	v56 =	vbroadcast v50, $0x0;
	v58 =	vor.u32 v6, v61;
	v30 =	vbroadcast v51, $0x0;
	v41 =	vld.idx.msk [tilespmem:v54+s28+$0x0], $0xffff  }
0x2a7: {  	v59 =	vor.u32 v7, v61;
	v53 =	vor.u32 v4, v61;
	v54 =	vor.u32 v5, v61;
	v43 =	vld.idx.msk [tilespmem:v42+s28+$0x0], $0xffff  }
0x2a8: {  	v50 =	vor.u32 v8, v61;
	v52 =	vor.u32 v3, v61;
	v51 =	vor.u32 v2, v61;
	v42 =	vld.idx.msk [tilespmem:v60+s28+$0x0], $0xffff  }
0x2a9: {  	s10 =	sadd.s32 $0x100, s10;
	v49 =	vor.u32 v1, v62;
	v48 =	vor.u32 v6, v9;
	v47 =	vor.u32 v7, v47  }
0x2aa: {  	_ =	sdelay $0x1  }
0x2ab: {  	vm1 =	vgt.s32 v18, $0xC2FF  }
0x2ac: {  	vm4 =	vgt.s32 v19, $0xC2FF  }
0x2ad: {  	vm5 =	vgt.s32 v20, $0xC2FF  }
0x2ae: {  	[tilespmem:v57+s5+$0x0] =	vst.idx.msk vm0, v44;
	vm0 =	vgt.s32 v21, $0xC2FF  }
0x2af: {  	[tilespmem:v58+s5+$0x0] =	vst.idx.msk vm3, v45;
	vm3 =	vgt.s32 v22, $0xC2FF  }
0x2b0: {  	[tilespmem:v59+s5+$0x0] =	vst.idx.msk vm2, v46;
	vm2 =	vgt.s32 v23, $0xC2FF  }
0x2b1: {  	vm6 =	vgt.s32 v24, $0xC2FF;
	[tilespmem:v54+s5+$0x0] =	vst.idx.msk vm1, v37  }
0x2b2: {  	vm11 =	vgt.s32 v26, $0xC2FF;
	[tilespmem:v53+s5+$0x0] =	vst.idx.msk vm4, v34  }
0x2b3: {  	v9 =	vor.u32 v5, v55;
	vm12 =	vgt.s32 v27, $0xC2FF;
	[tilespmem:v52+s5+$0x0] =	vst.idx.msk vm5, v31  }
0x2b4: {  	v18 =	vor.u32 v4, v36;
	vm1 =	vgt.s32 v25, $0xC2FF;
	[tilespmem:v51+s5+$0x0] =	vst.idx.msk vm0, v35  }
0x2b5: {  	vm0 =	vgt.s32 v28, $0xC2FF;
	[tilespmem:v50+s5+$0x0] =	vst.idx.msk vm3, v32  }
0x2b6: {  	v19 =	vor.u32 v3, v56;
	vm3 =	vgt.s32 v29, $0xC2FF;
	[tilespmem:v49+s5+$0x0] =	vst.idx.msk vm2, v33  }
0x2b7: {  	v20 =	vor.u32 v2, v30;
	[tilespmem:v48+s5+$0x0] =	vst.idx.msk vm6, v38  }
0x2b8: {  	[tilespmem:v9+s5+$0x0] =	vst.idx.msk vm11, v40  }
0x2b9: {  	[tilespmem:v18+s5+$0x0] =	vst.idx.msk vm12, v41  }
0x2ba: {  	[tilespmem:v47+s5+$0x0] =	vst.idx.msk vm1, v39  }
0x2bb: {  	[tilespmem:v19+s5+$0x0] =	vst.idx.msk vm0, v43  }
0x2bc: {  	[tilespmem:v20+s5+$0x0] =	vst.idx.msk vm3, v42  }
0x2bd: {  	v25 =	vld [tilespmem:s9+$0x0]  }
0x2be: {  	v9 =	vld [tilespmem:s9+$0xFFFFFF10]  }
0x2bf: {  	v32 =	vld [tilespmem:s9+$0xFFFFFF20]  }
0x2c0: {  	v33 =	vld [tilespmem:s9+$0xFFFFFF30]  }
0x2c1: {  	v18 =	vld [tilespmem:s9+$0xFFFFFF40]  }
0x2c2: {  	v19 =	vld [tilespmem:s9+$0xFFFFFF50]  }
0x2c3: {  	v20 =	vld [tilespmem:s9+$0xFFFFFF60]  }
0x2c4: {  	v21 =	vld [tilespmem:s9+$0xFFFFFF70]  }
0x2c5: {  	v23 =	vld [tilespmem:s9+$0xFFFFFF90]  }
0x2c6: {  	v13 =	vadd.s32 $0x180, v13;
	v24 =	vld [tilespmem:s9+$0xFFFFFFA0]  }
0x2c7: {  	v10 =	vadd.s32 $0x180, v10;
	v13 =	vbroadcast v13, $0x0;
	v22 =	vadd.s32 $0xFFFF3D00, v25  }
0x2c8: {  	v28 =	vadd.s32 $0xFFFF3D00, v9;
	vm0 =	vgt.s32 v9, $0xC2FF;
	v29 =	vadd.s32 $0xFFFF3D00, v32  }
0x2c9: {  	v31 =	vadd.s32 $0xFFFF3D00, v33;
	v59 =	vadd.s32 $0xFFFF3D00, v18;
	v60 =	vadd.s32 $0xFFFF3D00, v19  }
0x2ca: {  	v61 =	vadd.s32 $0xFFFF3D00, v20;
	v62 =	vadd.s32 $0xFFFF3D00, v21;
	vm3 =	vgt.s32 v25, $0xC2FF  }
0x2cb: {  	v9 =	vld [tilespmem:$0x1FFF0];
	v52 =	vadd.s32 $0xFFFF3D00, v23;
	v54 =	vadd.s32 $0xFFFF3D00, v24;
	vm1 =	vgt.s32 v22, $0x0  }
0x2cc: {  	v27 =	vld [tilespmem:s9+$0xFFFFFFE0];
	vm2 =	vgt.s32 v29, $0x0;
	vm13 =	vgt.s32 v31, $0x0;
	v30 =	vnsel vm1, $0x0, v22  }
0x2cd: {  	v25 =	vld [tilespmem:s9+$0xFFFFFFC0];
	vm14 =	vgt.s32 v59, $0x0;
	vm15 =	vgt.s32 v60, $0x0;
	v29 =	vnsel vm2, $0x0, v29  }
0x2ce: {  	vm7 =	vgt.s32 v61, $0x0;
	vm1 =	vgt.s32 v28, $0x0;
	v22 =	vld [tilespmem:s9+$0xFFFFFF80];
	v31 =	vnsel vm13, $0x0, v31  }
0x2cf: {  	vm8 =	vgt.s32 v62, $0x0;
	v34 =	vnsel vm14, $0x0, v59;
	v53 =	vnsel vm1, $0x0, v28;
	v28 =	vld [tilespmem:s9+$0xFFFFFFF0]  }
0x2d0: {  	vm9 =	vgt.s32 v52, $0x0;
	vm2 =	vgt.s32 v54, $0x0;
	v26 =	vadd.s32 $0x180, v9;
	v9 =	vld [tilespmem:s9+$0xFFFFFFB0]  }
0x2d1: {  	v57 =	vnsel vm15, $0x0, v60;
	v58 =	vnsel vm7, $0x0, v61;
	v59 =	vadd.s32 $0xFFFF3D00, v27;
	v44 =	vld.idx.msk [tilespmem:v30+s28+$0x0], $0xffff  }
0x2d2: {  	v61 =	vnsel vm8, $0x0, v62;
	v40 =	vnsel vm9, $0x0, v52;
	v62 =	vadd.s32 $0x180, v15;
	v36 =	vld.idx.msk [tilespmem:v29+s28+$0x0], $0xffff  }
0x2d3: {  	vm14 =	vgt.s32 v59, $0x0;
	v42 =	vnsel vm2, $0x0, v54;
	v26 =	vbroadcast v26, $0x0;
	v37 =	vld.idx.msk [tilespmem:v31+s28+$0x0], $0xffff  }
0x2d4: {  	vm2 =	vgt.s32 v32, $0xC2FF;
	v41 =	vnsel vm14, $0x0, v59;
	v63 =	vadd.s32 $0xFFFF3D00, v22;
	v31 =	vld.idx.msk [tilespmem:v34+s28+$0x0], $0xffff  }
0x2d5: {  	v30 =	vadd.s32 $0xFFFF3D00, v25;
	v39 =	vor.u32 v8, v26;
	v26 =	vld [tilespmem:s9+$0xFFFFFFD0];
	vm1 =	vgt.s32 v63, $0x0  }
0x2d6: {  	v59 =	vadd.s32 $0x180, v17;
	v29 =	vld.idx.msk [tilespmem:v58+s28+$0x0], $0xffff;
	vm12 =	vgt.s32 v30, $0x0;
	v38 =	vnsel vm1, $0x0, v63  }
0x2d7: {  	v15 =	vld.idx.msk [tilespmem:v61+s28+$0x0], $0xffff;
	v58 =	vadd.s32 $0x180, v14;
	v60 =	vadd.s32 $0xFFFF3D00, v28;
	v34 =	vnsel vm12, $0x0, v30  }
0x2d8: {  	v61 =	vbroadcast v62, $0x0;
	v35 =	vld.idx.msk [tilespmem:v53+s28+$0x0], $0xffff;
	v47 =	vbroadcast v58, $0x0;
	vm15 =	vgt.s32 v60, $0x0  }
0x2d9: {  	v30 =	vld.idx.msk [tilespmem:v57+s28+$0x0], $0xffff;
	v63 =	vadd.s32 $0x180, v11;
	v57 =	vadd.s32 $0x180, v16;
	v55 =	vadd.s32 $0xFFFF3D00, v9  }
0x2da: {  	v14 =	vld.idx.msk [tilespmem:v42+s28+$0x0], $0xffff;
	v51 =	vnsel vm15, $0x0, v60;
	vm4 =	vgt.s32 v55, $0x0;
	v56 =	vadd.s32 $0xFFFF3D00, v26  }
0x2db: {  	v60 =	vbroadcast v10, $0x0;
	v43 =	vnsel vm4, $0x0, v55;
	vm13 =	vgt.s32 v56, $0x0;
	v11 =	vld.idx.msk [tilespmem:v38+s28+$0x0], $0xffff  }
0x2dc: {  	vm1 =	vgt.s32 v33, $0xC2FF;
	v62 =	vbroadcast v63, $0x0;
	v17 =	vld.idx.msk [tilespmem:v34+s28+$0x0], $0xffff;
	v45 =	vnsel vm13, $0x0, v56  }
0x2dd: {  	v46 =	vbroadcast v57, $0x0;
	v48 =	vor.u32 v1, v60;
	v49 =	vor.u32 v6, v60;
	v34 =	vld.idx.msk [tilespmem:v41+s28+$0x0], $0xffff  }
0x2de: {  	v50 =	vor.u32 v7, v60;
	v42 =	vor.u32 v2, v60;
	v56 =	vadd.s32 $0x180, v12;
	v12 =	vld.idx.msk [tilespmem:v40+s28+$0x0], $0xffff  }
0x2df: {  	v10 =	vbroadcast v59, $0x0;
	[tilespmem:v39+s5+$0x0] =	vst.idx.msk vm3, v44;
	v44 =	vor.u32 v4, v60;
	v33 =	vld.idx.msk [tilespmem:v51+s28+$0x0], $0xffff;
	v63 =	vbroadcast v56, $0x0  }
0x2e0: {  	v39 =	vor.u32 v6, v62;
	v41 =	vor.u32 v8, v60;
	v40 =	vor.u32 v1, v61;
	v16 =	vld.idx.msk [tilespmem:v43+s28+$0x0], $0xffff  }
0x2e1: {  	s0 =	simm.s32 $0x0;
	s10 =	simm.s32 $0x1D570;
	v43 =	vor.u32 v3, v60;
	v38 =	vor.u32 v7, v63;
	v32 =	vld.idx.msk [tilespmem:v45+s28+$0x0], $0xffff;
	v45 =	vor.u32 v5, v60  }
.LBB2_21:
0x2e2: {  	v51 =	vld [tilespmem:s10+$0x0];
	s0 =	sadd.s32 $0x10, s0;
	v46 =	vor.u32 v5, v46;
	v52 =	vor.u32 v4, v13;
	v47 =	vor.u32 v3, v47  }
0x2e3: {  	vm4 =	vgt.s32 v18, $0xC2FF;
	vm6 =	vgt.s32 v19, $0xC2FF;
	v53 =	vld [tilespmem:s10+$0xFFFFFF10];
	p3 =	slt.u32 s0, $0x70;
	[tilespmem:v48+s5+$0x0] =	vst.idx.msk vm0, v35;
	v35 =	vor.u32 v2, v10  }
0x2e4: {  	vm8 =	vgt.s32 v20, $0xC2FF;
	vm10 =	vgt.s32 v21, $0xC2FF;
	vm12 =	vgt.s32 v22, $0xC2FF;
	v10 =	vld [tilespmem:s10+$0xFFFFFF20];
	[tilespmem:v49+s5+$0x0] =	vst.idx.msk vm2, v36  }
0x2e5: {  	vm11 =	vgt.s32 v23, $0xC2FF;
	vm9 =	vgt.s32 v24, $0xC2FF;
	vm7 =	vgt.s32 v9, $0xC2FF;
	v13 =	vld [tilespmem:s10+$0xFFFFFF30];
	[tilespmem:v50+s5+$0x0] =	vst.idx.msk vm1, v37  }
0x2e6: {  	vm5 =	vgt.s32 v25, $0xC2FF;
	vm3 =	vgt.s32 v26, $0xC2FF;
	vm2 =	vgt.s32 v27, $0xC2FF;
	v18 =	vld [tilespmem:s10+$0xFFFFFF40]  }
0x2e7: {  	vm1 =	vgt.s32 v28, $0xC2FF;
	v19 =	vld [tilespmem:s10+$0xFFFFFF50];
	v9 =	vadd.s32 $0xFFFF3D00, v51  }
0x2e8: {  	s21 =	sadd.s32 $0x100, s21;
	v36 =	vadd.s32 $0xFFFF3D00, v53;
	vm0 =	vgt.s32 v53, $0xC2FF;
	v20 =	vld [tilespmem:s10+$0xFFFFFF60];
	vm13 =	vgt.s32 v9, $0x0  }
0x2e9: {  	s9 =	sadd.s32 $0xFFFFFF90, s21;
	s6 =	sadd.s32 $0xFFFFFFA0, s21;
	s2 =	sadd.s32 $0xFFFFFFB0, s21;
	v37 =	vadd.s32 $0xFFFF3D00, v10;
	v21 =	vld [tilespmem:s10+$0xFFFFFF70];
	v25 =	vnsel vm13, $0x0, v9;
	v9 =	vmov s21;
	[tilespmem:v45+s5+$0x0] =	vst.idx.msk vm4, v31  }
0x2ea: {  	s12 =	sadd.s32 $0xFFFFFFC0, s21;
	s13 =	sadd.s32 $0xFFFFFFD0, s21;
	s4 =	sadd.s32 $0xFFFFFFE0, s21;
	vm4 =	vgt.s32 v36, $0x0;
	v31 =	vadd.s32 $0xFFFF3D00, v13;
	v22 =	vld [tilespmem:s10+$0xFFFFFF80];
	v9 =	vshrl.u32 v9, $0x7;
	[tilespmem:v44+s5+$0x0] =	vst.idx.msk vm6, v30  }
0x2eb: {  	s22 =	sadd.s32 $0xFFFFFF10, s21;
	s7 =	sadd.s32 $0xFFFFFFF0, s21;
	vm6 =	vgt.s32 v37, $0x0;
	v30 =	vadd.s32 $0xFFFF3D00, v18;
	v23 =	vld [tilespmem:s10+$0xFFFFFF90];
	v9 =	vshll.u32 v9, v0;
	[tilespmem:v43+s5+$0x0] =	vst.idx.msk vm8, v29  }
0x2ec: {  	vm8 =	vgt.s32 v31, $0x0;
	v29 =	vadd.s32 $0xFFFF3D00, v19;
	v24 =	vld [tilespmem:s10+$0xFFFFFFA0];
	v26 =	vadd.s32 $0x180, v9;
	[tilespmem:v42+s5+$0x0] =	vst.idx.msk vm10, v15  }
0x2ed: {  	vm10 =	vgt.s32 v30, $0x0;
	v15 =	vadd.s32 $0xFFFF3D00, v20;
	v9 =	vld [tilespmem:s10+$0xFFFFFFB0];
	v26 =	vbroadcast v26, $0x0;
	[tilespmem:v41+s5+$0x0] =	vst.idx.msk vm12, v11  }
0x2ee: {  	vm14 =	vgt.s32 v51, $0xC2FF;
	vm12 =	vgt.s32 v29, $0x0;
	v11 =	vadd.s32 $0xFFFF3D00, v21;
	v41 =	vld.idx.msk [tilespmem:v25+s28+$0x0], $0xffff;
	[tilespmem:v40+s5+$0x0] =	vst.idx.msk vm11, v12  }
0x2ef: {  	vm11 =	vgt.s32 v15, $0x0;
	v12 =	vadd.s32 $0xFFFF3D00, v22;
	v25 =	vld [tilespmem:s10+$0xFFFFFFC0];
	v40 =	vor.u32 v8, v26;
	[tilespmem:v39+s5+$0x0] =	vst.idx.msk vm9, v14  }
0x2f0: {  	vm9 =	vgt.s32 v11, $0x0;
	vm13 =	vgt.s32 v12, $0x0;
	v14 =	vadd.s32 $0xFFFF3D00, v23;
	v26 =	vld [tilespmem:s10+$0xFFFFFFD0];
	[tilespmem:v38+s5+$0x0] =	vst.idx.msk vm7, v16  }
0x2f1: {  	v16 =	vmov s22;
	vm7 =	vgt.s32 v14, $0x0;
	v38 =	vadd.s32 $0xFFFF3D00, v24;
	v27 =	vld [tilespmem:s10+$0xFFFFFFE0];
	[tilespmem:v46+s5+$0x0] =	vst.idx.msk vm5, v17  }
0x2f2: {  	v17 =	vmov s9;
	vm5 =	vgt.s32 v38, $0x0;
	v39 =	vadd.s32 $0xFFFF3D00, v9;
	v28 =	vld [tilespmem:s10+$0xFFFFFFF0];
	[tilespmem:v52+s5+$0x0] =	vst.idx.msk vm3, v32  }
0x2f3: {  	v42 =	vmov s2;
	v32 =	vmov s6;
	vm3 =	vgt.s32 v39, $0x0;
	[tilespmem:v47+s5+$0x0] =	vst.idx.msk vm2, v34  }
0x2f4: {  	v44 =	vmov s13;
	v43 =	vmov s12;
	v34 =	vadd.s32 $0xFFFF3D00, v25;
	[tilespmem:v40+s5+$0x0] =	vst.idx.msk vm14, v41  }
0x2f5: {  	v41 =	vmov s4;
	vm2 =	vgt.s32 v34, $0x0;
	v40 =	vadd.s32 $0xFFFF3D00, v26;
	[tilespmem:v35+s5+$0x0] =	vst.idx.msk vm1, v33  }
0x2f6: {  	v45 =	vmov s7;
	vm1 =	vgt.s32 v40, $0x0;
	v33 =	vadd.s32 $0xFFFF3D00, v27  }
0x2f7: {  	v35 =	vnsel vm4, $0x0, v36;
	vm4 =	vgt.s32 v33, $0x0;
	v36 =	vadd.s32 $0xFFFF3D00, v28  }
0x2f8: {  	v37 =	vnsel vm6, $0x0, v37;
	v31 =	vnsel vm8, $0x0, v31;
	vm6 =	vgt.s32 v36, $0x0  }
0x2f9: {  	v30 =	vnsel vm10, $0x0, v30;
	v29 =	vnsel vm12, $0x0, v29;
	v15 =	vnsel vm11, $0x0, v15  }
0x2fa: {  	v11 =	vnsel vm9, $0x0, v11;
	v12 =	vnsel vm13, $0x0, v12;
	v14 =	vnsel vm7, $0x0, v14  }
0x2fb: {  	v38 =	vnsel vm5, $0x0, v38;
	v39 =	vnsel vm3, $0x0, v39;
	v34 =	vnsel vm2, $0x0, v34  }
0x2fc: {  	v40 =	vnsel vm1, $0x0, v40;
	v33 =	vnsel vm4, $0x0, v33;
	v51 =	vnsel vm6, $0x0, v36;
	v35 =	vld.idx.msk [tilespmem:v35+s28+$0x0], $0xffff  }
0x2fd: {  	v16 =	vshrl.u32 v16, $0x7;
	v17 =	vshrl.u32 v17, $0x7;
	v32 =	vshrl.u32 v32, $0x7;
	v36 =	vld.idx.msk [tilespmem:v37+s28+$0x0], $0xffff  }
0x2fe: {  	v44 =	vshrl.u32 v44, $0x7;
	v43 =	vshrl.u32 v43, $0x7;
	v42 =	vshrl.u32 v42, $0x7;
	v37 =	vld.idx.msk [tilespmem:v31+s28+$0x0], $0xffff  }
0x2ff: {  	v45 =	vshrl.u32 v45, $0x7;
	v16 =	vshll.u32 v16, v0;
	v41 =	vshrl.u32 v41, $0x7;
	v31 =	vld.idx.msk [tilespmem:v30+s28+$0x0], $0xffff  }
0x300: {  	v42 =	vshll.u32 v42, v0;
	v17 =	vshll.u32 v17, v0;
	v32 =	vshll.u32 v32, v0;
	v30 =	vld.idx.msk [tilespmem:v29+s28+$0x0], $0xffff  }
0x301: {  	v44 =	vshll.u32 v44, v0;
	v43 =	vshll.u32 v43, v0;
	v41 =	vshll.u32 v41, v0;
	v29 =	vld.idx.msk [tilespmem:v15+s28+$0x0], $0xffff  }
0x302: {  	v45 =	vshll.u32 v45, v0;
	v16 =	vadd.s32 $0x180, v16;
	v17 =	vadd.s32 $0x180, v17;
	v15 =	vld.idx.msk [tilespmem:v11+s28+$0x0], $0xffff  }
0x303: {  	v43 =	vadd.s32 $0x180, v43;
	v42 =	vadd.s32 $0x180, v42;
	v32 =	vadd.s32 $0x180, v32;
	v11 =	vld.idx.msk [tilespmem:v12+s28+$0x0], $0xffff  }
0x304: {  	v45 =	vadd.s32 $0x180, v45;
	v44 =	vadd.s32 $0x180, v44;
	v41 =	vadd.s32 $0x180, v41;
	v12 =	vld.idx.msk [tilespmem:v14+s28+$0x0], $0xffff  }
0x305: {  	v52 =	vbroadcast v16, $0x0;
	v53 =	vbroadcast v17, $0x0;
	vm2 =	vgt.s32 v10, $0xC2FF;
	v14 =	vld.idx.msk [tilespmem:v38+s28+$0x0], $0xffff  }
0x306: {  	v54 =	vbroadcast v42, $0x0;
	vm1 =	vgt.s32 v13, $0xC2FF;
	v38 =	vbroadcast v32, $0x0;
	v16 =	vld.idx.msk [tilespmem:v39+s28+$0x0], $0xffff  }
.Ltmp10:
0x307: {  	v46 =	vbroadcast v43, $0x0;
	v48 =	vor.u32 v1, v52;
	v13 =	vbroadcast v44, $0x0;
	v17 =	vld.idx.msk [tilespmem:v34+s28+$0x0], $0xffff;
	(pc) =	sbr.rel @p3 .LBB2_21-.Ltmp10, $4  }
0x308: {  	v49 =	vor.u32 v6, v52;
	v10 =	vbroadcast v45, $0x0;
	v47 =	vbroadcast v41, $0x0;
	v32 =	vld.idx.msk [tilespmem:v40+s28+$0x0], $0xffff  }
0x309: {  	v50 =	vor.u32 v7, v52;
	v45 =	vor.u32 v5, v52;
	v44 =	vor.u32 v4, v52;
	v34 =	vld.idx.msk [tilespmem:v33+s28+$0x0], $0xffff  }
0x30a: {  	v43 =	vor.u32 v3, v52;
	v42 =	vor.u32 v2, v52;
	v41 =	vor.u32 v8, v52;
	v33 =	vld.idx.msk [tilespmem:v51+s28+$0x0], $0xffff  }
0x30b: {  	s10 =	sadd.s32 $0x100, s10;
	v39 =	vor.u32 v6, v38;
	v38 =	vor.u32 v7, v54;
	v40 =	vor.u32 v1, v53  }
0x30c: {  	_ =	sdelay $0x1  }
0x30d: {  	vm3 =	vgt.s32 v18, $0xC2FF  }
0x30e: {  	vm4 =	vgt.s32 v19, $0xC2FF  }
0x30f: {  	vm5 =	vgt.s32 v20, $0xC2FF  }
0x310: {  	[tilespmem:v48+s5+$0x0] =	vst.idx.msk vm0, v35;
	vm15 =	vgt.s32 v21, $0xC2FF  }
0x311: {  	[tilespmem:v49+s5+$0x0] =	vst.idx.msk vm2, v36;
	vm9 =	vgt.s32 v22, $0xC2FF  }
0x312: {  	[tilespmem:v50+s5+$0x0] =	vst.idx.msk vm1, v37;
	vm10 =	vgt.s32 v23, $0xC2FF  }
0x313: {  	vm6 =	vgt.s32 v24, $0xC2FF;
	[tilespmem:v45+s5+$0x0] =	vst.idx.msk vm3, v31  }
0x314: {  	vm11 =	vgt.s32 v9, $0xC2FF;
	[tilespmem:v44+s5+$0x0] =	vst.idx.msk vm4, v30  }
0x315: {  	vm12 =	vgt.s32 v25, $0xC2FF;
	[tilespmem:v43+s5+$0x0] =	vst.idx.msk vm5, v29  }
0x316: {  	v5 =	vor.u32 v5, v46;
	vm13 =	vgt.s32 v26, $0xC2FF;
	[tilespmem:v42+s5+$0x0] =	vst.idx.msk vm15, v15  }
0x317: {  	v4 =	vor.u32 v4, v13;
	vm14 =	vgt.s32 v27, $0xC2FF;
	[tilespmem:v41+s5+$0x0] =	vst.idx.msk vm9, v11  }
0x318: {  	v3 =	vor.u32 v3, v47;
	vm15 =	vgt.s32 v28, $0xC2FF;
	[tilespmem:v40+s5+$0x0] =	vst.idx.msk vm10, v12  }
0x319: {  	v2 =	vor.u32 v2, v10;
	[tilespmem:v39+s5+$0x0] =	vst.idx.msk vm6, v14  }
0x31a: {  	[tilespmem:v38+s5+$0x0] =	vst.idx.msk vm11, v16  }
0x31b: {  	[tilespmem:v5+s5+$0x0] =	vst.idx.msk vm12, v17  }
0x31c: {  	s0 =	sor.u32 s3, s20;
	[tilespmem:v4+s5+$0x0] =	vst.idx.msk vm13, v32  }
0x31d: {  	s0 =	sshll.u32 s0, $0xB;
	[tilespmem:v3+s5+$0x0] =	vst.idx.msk vm14, v34  }
0x31e: {  	s2 =	simm.s32 $0x200;
	s0 =	sadd.s32 s0, s18;
	[tilespmem:v2+s5+$0x0] =	vst.idx.msk vm15, v33  }
0x31f: {  	[hbm4b:s0+s2] =	stream.strided.scatter [tilespmem:s5], [sflag:$0x2], $0x2000, s26, s2, $0x38;
	[tilespmem:$0x1FB80] =	vst v63  }
0x320: {  	s0 =	simm.s32 @p2 $0x1  }
0x321: {  	_ =	swait.ge @p2 [sflag:s0], $0x6200  }
0x322: {  	[sflag:s0] =	ssyncset.done @p2 $0x0  }
0x323: {  	[sflag:s0] =	ssyncadd.s32 @p2 $0xFFFF9E00  }
0x324: {  	_ =	swait.ge @p2 [sflag:s0], $0x6180  }
0x325: {  	s19 =	sadd.s32 $0x1, s19;
	[sflag:s0] =	ssyncset.done @p2 $0x0  }
0x326: {  	[sflag:s0] =	ssyncadd.s32 @p2 $0xFFFF9E80;
	p2 =	sne.s32 s19, $0x68  }
.Ltmp11:
0x327: {  	_ = 	snop;
	(pc) =	sbr.rel @p2 .LBB2_2-.Ltmp11, $2  }
0x328: {  	_ =	sdelay $0x1  }
0x329: {  	[bflag:$0x0] =	sbarrier.arrive $0xFFFF;
	_ =	sdelay $0x1  }
0x32a: {  	_ =	swait.ge [sflag:s11], $0x2000  }
0x32b: {  	s2 =	rddreg [dreg:$0xf]  }
0x32c: {  	s0 =	rddreg [dreg:$0xc];
	s2 =	sadd.s32 $0x1, s2  }
0x32d: {  	p2 =	sne.s32 s2, s0  }
.Ltmp12:
0x32e: {  	_ = 	snop;
	(pc) =	sbr.rel @p2 .LBB2_1-.Ltmp12, $3  }
0x32f: {  	_ =	sdelay $0x1  }
0x330: {  	[sflag:s11] =	ssyncset.done $0x0  }
0x331: {  	[sflag:s11] =	ssyncadd.s32 $0xFFFFE000  }
0x332: {  	_ =	sfence.sel $0x180000  }
0x333: {  	[bflag:$0x0] =	sbarrier.arrive $0xFFFF  }
0x334: {  	_ =	strace $0x90000047  }
0x335: {  	[bflag:$0x2] =	sbarrier.arrive $0xFFFF  }
0x336: {  	s0 =	rddreg [dreg:$0x7]  }
0x337: {  	s0 =	sadd.s32 @!p0 $0x100000, s0  }
0x338: {  	[sflag:s0] =	ssyncadd.tile.s32 @!p0 $0x1;
	_ =	shalt  }
.Lfunc_end2:
_tile_overlayer_lowered:
.L_overlay_start_2:
0x339: {  	(tag) =	ssettag $0x2  }
0x33a: {  	s0 =	rddreg [dreg:$0x0];
	s2 =	stileid.u32  }
0x33b: {  	s1 =	rddreg [dreg:$0x1];
	p0 =	sne.s32 s2, $0x0  }
0x33c: {  	s3 =	rddreg [dreg:$0x2];
	[bflag:$0x3] =	sbarrier.arrive $0xFFFF;
	s2 =	simm.s32 @!p0 $0x1C05  }
0x33d: {  	[timem:s3], [sflag:s2] =	dma.local @!p0 [hbm:s0], s1  }
0x33e: {  	s0 =	simm.s32 @!p0 $0x5  }
0x33f: {  	_ =	swait.ge @!p0 [sflag:s0], s1  }
0x340: {  	s1 =	ssub.s32 @!p0 $0x0, s1;
	[sflag:s0] =	ssyncset.done @!p0 $0x0  }
0x341: {  	[sflag:s0] =	ssyncadd.s32 @!p0 s1  }
0x342: {  	[bflag:$0x3] =	sbarrier.arrive $0xFFFF  }
0x343: {  	_ =	shalt  }

</sc_bundles>
